<compile_context>
chip_gen: v7x
topology: tpu7x:2x2x1
jax: 0.10.2.dev20260603
libtpu: 0.0.44.dev20260713+nightly
codegen_flags: <defaults>
</compile_context>

<pallas_src>
import functools

import jax
import jax.numpy as jnp
from jax import lax
from jax.experimental import pallas as pl
from jax.experimental.pallas import tpu as pltpu
from jax.experimental.pallas import tpu_sc as plsc

N = 10000
E = 320000
D = 128
G = 256

NW = 32
EPT = E // NW
BLK = 2000
RB = 64
CAP = 10240
CAPP = CAP + 128
ROWS_PT = 320
L = 16


def _sc_body(emb_hbm, src_hbm, dst_hbm, sup_hbm, batch_hbm,
             sum_o, cnt_o, pool_o, rep_o,
             map_v, sup_v, dst_v, src_v, csrc_v, cslot_v,
             acc_v, cnt_v, rows_v, pool_v, batch_v,
             sem_r):
    cid = lax.axis_index("c")
    sid = lax.axis_index("s")
    wid = sid * 2 + cid
    lanes = lax.iota(jnp.int32, L)
    zi = jnp.full((L,), 0, jnp.int32)
    zf = jnp.full((L,), 0.0, jnp.float32)
    one = jnp.full((L,), 1, jnp.int32)

    neg1 = jnp.full((L,), -1, jnp.int32)
    ninf = jnp.full((L,), -jnp.inf, jnp.float32)

    def init_map(i, _):
        for u in range(5):
            map_v[pl.ds((i * 5 + u) * L, L)] = neg1
        return 0
    lax.fori_loop(0, N // L // 5, init_map, 0)

    def init_comp(i, _):
        for u in range(8):
            csrc_v[pl.ds((i * 8 + u) * L, L)] = zi
            cslot_v[pl.ds((i * 8 + u) * L, L)] = neg1
        return 0
    lax.fori_loop(0, CAPP // L // 8, init_comp, 0)

    def init_acc(g, _):
        for c in range(D // L):
            acc_v[g, pl.ds(c * L, L)] = zf
            pool_v[g, pl.ds(c * L, L)] = ninf
        return 0
    lax.fori_loop(0, G, init_acc, 0)

    def init_cnt(i, _):
        cnt_v[pl.ds(i * L, L)] = zf
        return 0
    lax.fori_loop(0, G // L, init_cnt, 0)

    pltpu.sync_copy(sup_hbm, sup_v)

    def set_map(i, _):
        nodes = sup_v[pl.ds(i * L, L)]
        plsc.store_scatter(map_v, [nodes], lanes + i * L)
        return 0
    lax.fori_loop(0, G // L, set_map, 0)

    def scan_block(bk, off):
        base = wid * EPT + bk * BLK
        pltpu.sync_copy(dst_hbm.at[pl.ds(base, BLK)], dst_v)
        pltpu.sync_copy(src_hbm.at[pl.ds(base, BLK)], src_v)

        def scan16(i, off):
            vdst = dst_v[pl.ds(i * L, L)]
            vslot = plsc.load_gather(map_v, [vdst])
            m = vslot >= 0
            csum = plsc.cumsum(jnp.where(m, one, zi))
            pos = off + csum - 1
            vsrc = src_v[pl.ds(i * L, L)]
            plsc.store_scatter(csrc_v, [pos], vsrc, mask=m)
            plsc.store_scatter(cslot_v, [pos], vslot, mask=m)
            return off + jnp.max(csum)
        return lax.fori_loop(0, BLK // L, scan16, off)
    off = lax.fori_loop(0, EPT // BLK, scan_block, jnp.int32(0))

    nchunks = (off + RB - 1) // RB

    onesf = jnp.full((L,), 1.0, jnp.float32)
    lane0 = lanes == 0

    def chunk_body(j, _):
        pltpu.async_copy(emb_hbm.at[csrc_v.at[pl.ds(j * RB, RB)]],
                         rows_v, sem_r).wait()

        def row_body(r, _):
            sl = cslot_v[pl.ds(j * RB + r, L)][0]

            @pl.when(sl >= 0)
            def _():
                sv = zi + sl
                plsc.addupdate_scatter(cnt_v, [sv], onesf, mask=lane0)
                for c in range(D // L):
                    vals = rows_v[r, pl.ds(c * L, L)]
                    plsc.addupdate_scatter(acc_v, [sv, c * L + lanes], vals)
            return 0
        lax.fori_loop(0, RB, row_body, 0)
        return 0
    lax.fori_loop(0, nchunks, chunk_body, 0)

    row0 = wid * ROWS_PT

    def flush_run(prev, ms):
        pv = zi + prev
        for c in range(D // L):
            cur = plsc.load_gather(pool_v, [pv, c * L + lanes])
            plsc.store_scatter(pool_v, [pv, c * L + lanes],
                               jnp.maximum(cur, ms[c]))

    def pool_block(k, carry):
        start = jnp.minimum(row0 + k * RB, N - RB)
        pltpu.sync_copy(emb_hbm.at[pl.ds(start, RB)], rows_v)
        pltpu.sync_copy(batch_hbm.at[pl.ds(start, RB)], batch_v.at[pl.ds(0, RB)])

        def prow(r, carry):
            prev = carry[0]
            ms = carry[1:]
            b = batch_v[pl.ds(r, L)][0]
            changed = b != prev

            @pl.when(changed & (prev >= 0))
            def _():
                flush_run(prev, ms)
            new_ms = []
            for c in range(D // L):
                vals = rows_v[r, pl.ds(c * L, L)]
                base = jnp.where(changed, ninf, ms[c])
                new_ms.append(jnp.maximum(base, vals))
            return (b,) + tuple(new_ms)
        return lax.fori_loop(0, RB, prow, carry)
    fcarry = lax.fori_loop(0, ROWS_PT // RB, pool_block,
                           (jnp.int32(-1),) + (ninf,) * (D // L))

    @pl.when(fcarry[0] >= 0)
    def _():
        flush_run(fcarry[0], fcarry[1:])

    pltpu.sync_copy(acc_v, sum_o.at[wid])
    pltpu.sync_copy(cnt_v, cnt_o.at[wid])
    pltpu.sync_copy(pool_v, pool_o.at[wid])

    @pl.when(wid == 0)
    def _():
        def repb(i, _):
            nodes = sup_v[pl.ds(i * L, L)]
            cslot_v[pl.ds(i * L, L)] = plsc.load_gather(map_v, [nodes])
            return 0
        lax.fori_loop(0, G // L, repb, 0)
        pltpu.sync_copy(cslot_v.at[pl.ds(0, G)], rep_o)


_sc_call = functools.partial(
    pl.kernel,
    out_type=(
        jax.ShapeDtypeStruct((NW, G, D), jnp.float32),
        jax.ShapeDtypeStruct((NW, G), jnp.float32),
        jax.ShapeDtypeStruct((NW, G, D), jnp.float32),
        jax.ShapeDtypeStruct((G,), jnp.int32),
    ),
    mesh=plsc.VectorSubcoreMesh(core_axis_name="c", subcore_axis_name="s"),
    compiler_params=pltpu.CompilerParams(needs_layout_passes=False),
    scratch_types=(
        pltpu.VMEM((N,), jnp.int32),
        pltpu.VMEM((G,), jnp.int32),
        pltpu.VMEM((BLK,), jnp.int32),
        pltpu.VMEM((BLK,), jnp.int32),
        pltpu.VMEM((CAPP,), jnp.int32),
        pltpu.VMEM((CAPP,), jnp.int32),
        pltpu.VMEM((G, D), jnp.float32),
        pltpu.VMEM((G,), jnp.float32),
        pltpu.VMEM((RB, D), jnp.float32),
        pltpu.VMEM((G, D), jnp.float32),
        pltpu.VMEM((RB + L,), jnp.int32),
        pltpu.SemaphoreType.DMA,
    ),
)(_sc_body)


def _tc_body(sum_p, cnt_p, pool_p, rep, w, bias, out):
    sums = jnp.sum(sum_p[...], axis=0)
    cnt = jnp.sum(cnt_p[...], axis=0)
    pool = jnp.max(pool_p[...], axis=0)
    mean = sums / jnp.maximum(cnt, 1.0)[:, None]
    onehot = (rep[...] == lax.broadcasted_iota(jnp.int32, (G, G), 1)
              ).astype(jnp.float32)
    graph_emb = jnp.dot(onehot, mean, preferred_element_type=jnp.float32)
    w1 = w[:, :D]
    w2 = w[:, D:]
    out[...] = (
        lax.dot_general(graph_emb, w1, (((1,), (1,)), ((), ())),
                        preferred_element_type=jnp.float32)
        + lax.dot_general(pool, w2, (((1,), (1,)), ((), ())),
                          preferred_element_type=jnp.float32)
        + bias[...]
    )


def kernel(all_node_emb, supernode_edge_index, supernode_idx, graph_batch, W, b):
    src = supernode_edge_index[0]
    dst = supernode_edge_index[1]
    sum_p, cnt_p, pool_p, rep = _sc_call(
        all_node_emb, src, dst, supernode_idx, graph_batch)
    out = pl.pallas_call(
        _tc_body,
        out_shape=jax.ShapeDtypeStruct((G, D), jnp.float32),
    )(sum_p, cnt_p, pool_p, rep.reshape(G, 1), W, b.reshape(1, D))
    return out

# --- scband reference (transcript-rebuilt; emitter-appended) ---
"""Pipeline reference for scband-bg-graph-to-supernode-propagator-pool-60765197304222 (READ-ONLY COPY).

The authoritative reference and input builder live on the scoring server;
editing this copy changes nothing except your own understanding.
"""

import jax, jax.numpy as jnp
import numpy as np

N = 10000   # n_nodes
E = 320000  # n_edges
D = 128     # emb_dim
G = 256     # num graphs == num supernodes


def setup_inputs(seed: int = 0) -> dict:
    key = jax.random.key(seed)
    k1, k2, k3, k4, k5 = jax.random.split(key, 5)
    all_node_emb = jax.random.normal(k1, (N, D), dtype=jnp.float32)
    supernode_edge_index = jax.random.randint(k2, (2, E), 0, N, dtype=jnp.int32)
    supernode_idx = jax.random.randint(k3, (G,), 0, N, dtype=jnp.int32)
    graph_batch = jnp.sort(jax.random.randint(k4, (N,), 0, G, dtype=jnp.int32))
    # Linear(2*D -> D) parameters (torch layout: W [out, in], b [out])
    kW, kb = jax.random.split(k5)
    W = (jax.random.normal(kW, (D, 2 * D), dtype=jnp.float32) * (1.0 / np.sqrt(2 * D))).astype(jnp.float32)
    b = jax.random.normal(kb, (D,), dtype=jnp.float32) * 0.01
    return {
        "all_node_emb": all_node_emb,
        "supernode_edge_index": supernode_edge_index,
        "supernode_idx": supernode_idx,
        "graph_batch": graph_batch,
        "W": W,
        "b": b,
    }


def reference(all_node_emb, supernode_edge_index, supernode_idx, graph_batch, W, b):
    src_idx = supernode_edge_index[0]
    dst_idx = supernode_edge_index[1]
    # gather source node embeddings
    src = jnp.take(all_node_emb, src_idx, axis=0)
    # scatter-mean onto destination (supernode) slots
    sums = jax.ops.segment_sum(src, dst_idx, num_segments=N)
    counts = jax.ops.segment_sum(jnp.ones((E, 1), dtype=all_node_emb.dtype), dst_idx, num_segments=N)
    mean = sums / jnp.maximum(counts, 1.0)
    # select supernode rows
    graph_emb = jnp.take(mean, supernode_idx, axis=0)
    # global max pool over graph_batch
    pool = jax.ops.segment_max(all_node_emb, graph_batch, num_segments=G)
    cat = jnp.concatenate([graph_emb, pool], axis=1)
    return cat @ W.T + b

if __name__ == "__main__":
    import jax
    _d = setup_inputs()
    print(jax.jit(kernel)(*tuple(_d.values())))

</pallas_src>

<mosaic_0001>
#map = affine_map<(d0, d1) -> (0, 0)>
#map1 = affine_map<(d0, d1) -> (0)>
#map2 = affine_map<(d0, d1) -> (0, 0, 0)>
module attributes {stable_mosaic.version = 14 : i64} {
  func.func @_sc_body(%arg0: i32, %arg1: i32, %arg2: memref<10000x128xf32, #tpu.memory_space<hbm>>, %arg3: memref<320000xi32, #tpu.memory_space<hbm>>, %arg4: memref<320000xi32, #tpu.memory_space<hbm>>, %arg5: memref<256xi32, #tpu.memory_space<hbm>>, %arg6: memref<10000xi32, #tpu.memory_space<hbm>>, %arg7: memref<32x256x128xf32, #tpu.memory_space<hbm>>, %arg8: memref<32x256xf32, #tpu.memory_space<hbm>>, %arg9: memref<32x256x128xf32, #tpu.memory_space<hbm>>, %arg10: memref<256xi32, #tpu.memory_space<hbm>>, %arg11: memref<10000xi32, #tpu.memory_space<vmem>>, %arg12: memref<256xi32, #tpu.memory_space<vmem>>, %arg13: memref<2000xi32, #tpu.memory_space<vmem>>, %arg14: memref<2000xi32, #tpu.memory_space<vmem>>, %arg15: memref<10368xi32, #tpu.memory_space<vmem>>, %arg16: memref<10368xi32, #tpu.memory_space<vmem>>, %arg17: memref<256x128xf32, #tpu.memory_space<vmem>>, %arg18: memref<256xf32, #tpu.memory_space<vmem>>, %arg19: memref<64x128xf32, #tpu.memory_space<vmem>>, %arg20: memref<256x128xf32, #tpu.memory_space<vmem>>, %arg21: memref<80xi32, #tpu.memory_space<vmem>>, %arg22: memref<!tpu.dma_semaphore, #tpu.memory_space<semaphore_mem>>) attributes {dimension_semantics = [#tpu.dimension_semantics<core_parallel>, #tpu.dimension_semantics<subcore_parallel>], iteration_bounds = array<i64: 2, 16>, scalar_prefetch = 0 : i64, scratch_operands = 12 : i64, tpu.core_type = #tpu.core_type<sc_vector_subcore>, window_params = [{transform_indices = #map}, {transform_indices = #map1}, {transform_indices = #map1}, {transform_indices = #map1}, {transform_indices = #map1}, {transform_indices = #map2}, {transform_indices = #map}, {transform_indices = #map2}, {transform_indices = #map1}]} {
    %mul3A = arith.constant 2 : i32
    %mul3A_0 = arith.muli %arg1, %mul3A : i32
    %add3A = arith.addi %mul3A_0, %arg0 : i32
    %iota3A = tpu.iota {dimensions = array<i32: 0>} : vector<16xi32>
    %broadcast_in_dim3A = arith.constant 0 : i32
    %broadcast_in_dim3A_1 = vector.broadcast %broadcast_in_dim3A : i32 to vector<16xi32>
    %broadcast_in_dim3A_2 = arith.constant 0.000000e+00 : f32
    %broadcast_in_dim3A_3 = vector.broadcast %broadcast_in_dim3A_2 : f32 to vector<16xf32>
    %broadcast_in_dim3A_4 = arith.constant 1 : i32
    %broadcast_in_dim3A_5 = vector.broadcast %broadcast_in_dim3A_4 : i32 to vector<16xi32>
    %broadcast_in_dim3A_6 = arith.constant -1 : i32
    %broadcast_in_dim3A_7 = vector.broadcast %broadcast_in_dim3A_6 : i32 to vector<16xi32>
    %broadcast_in_dim3A_8 = arith.constant 0xFF800000 : f32
    %broadcast_in_dim3A_9 = vector.broadcast %broadcast_in_dim3A_8 : f32 to vector<16xf32>
    %scan3A = arith.constant 0 : i32
    %scan3A_10 = arith.constant 0 : i32
    %scan3A_11 = arith.constant 125 : i32
    %scan3A_12 = arith.addi %scan3A_10, %scan3A_11 : i32
    %scan3A_13 = arith.constant 1 : i32
    %scan3A_14 = scf.for %scan3A_102 = %scan3A_10 to %scan3A_12 step %scan3A_13 iter_args(%scan3A_103 = %scan3A) -> (i32)  : i32 {
      %mul3A_104 = arith.constant 5 : i32
      %mul3A_105 = arith.muli %scan3A_102, %mul3A_104 : i32
      %add3A_106 = arith.constant 0 : i32
      %add3A_107 = arith.addi %mul3A_105, %add3A_106 : i32
      %mul3A_108 = arith.constant 16 : i32
      %mul3A_109 = arith.muli %add3A_107, %mul3A_108 : i32
      %swap3A = arith.index_cast %mul3A_109 : i32 to index
      %swap3A_110 = tpu.vector_load %arg11[%swap3A] {strides = array<i32>} : memref<10000xi32, #tpu.memory_space<vmem>>, vector<16xi32>,
      tpu.vector_store %arg11[%swap3A], %broadcast_in_dim3A_7 {strides = array<i32>} : memref<10000xi32, #tpu.memory_space<vmem>>, vector<16xi32>,
      %mul3A_111 = arith.constant 5 : i32
      %mul3A_112 = arith.muli %scan3A_102, %mul3A_111 : i32
      %add3A_113 = arith.constant 1 : i32
      %add3A_114 = arith.addi %mul3A_112, %add3A_113 : i32
      %mul3A_115 = arith.constant 16 : i32
      %mul3A_116 = arith.muli %add3A_114, %mul3A_115 : i32
      %swap3A_117 = arith.index_cast %mul3A_116 : i32 to index
      %swap3A_118 = tpu.vector_load %arg11[%swap3A_117] {strides = array<i32>} : memref<10000xi32, #tpu.memory_space<vmem>>, vector<16xi32>,
      tpu.vector_store %arg11[%swap3A_117], %broadcast_in_dim3A_7 {strides = array<i32>} : memref<10000xi32, #tpu.memory_space<vmem>>, vector<16xi32>,
      %mul3A_119 = arith.constant 5 : i32
      %mul3A_120 = arith.muli %scan3A_102, %mul3A_119 : i32
      %add3A_121 = arith.constant 2 : i32
      %add3A_122 = arith.addi %mul3A_120, %add3A_121 : i32
      %mul3A_123 = arith.constant 16 : i32
      %mul3A_124 = arith.muli %add3A_122, %mul3A_123 : i32
      %swap3A_125 = arith.index_cast %mul3A_124 : i32 to index
      %swap3A_126 = tpu.vector_load %arg11[%swap3A_125] {strides = array<i32>} : memref<10000xi32, #tpu.memory_space<vmem>>, vector<16xi32>,
      tpu.vector_store %arg11[%swap3A_125], %broadcast_in_dim3A_7 {strides = array<i32>} : memref<10000xi32, #tpu.memory_space<vmem>>, vector<16xi32>,
      %mul3A_127 = arith.constant 5 : i32
      %mul3A_128 = arith.muli %scan3A_102, %mul3A_127 : i32
      %add3A_129 = arith.constant 3 : i32
      %add3A_130 = arith.addi %mul3A_128, %add3A_129 : i32
      %mul3A_131 = arith.constant 16 : i32
      %mul3A_132 = arith.muli %add3A_130, %mul3A_131 : i32
      %swap3A_133 = arith.index_cast %mul3A_132 : i32 to index
      %swap3A_134 = tpu.vector_load %arg11[%swap3A_133] {strides = array<i32>} : memref<10000xi32, #tpu.memory_space<vmem>>, vector<16xi32>,
      tpu.vector_store %arg11[%swap3A_133], %broadcast_in_dim3A_7 {strides = array<i32>} : memref<10000xi32, #tpu.memory_space<vmem>>, vector<16xi32>,
      %mul3A_135 = arith.constant 5 : i32
      %mul3A_136 = arith.muli %scan3A_102, %mul3A_135 : i32
      %add3A_137 = arith.constant 4 : i32
      %add3A_138 = arith.addi %mul3A_136, %add3A_137 : i32
      %mul3A_139 = arith.constant 16 : i32
      %mul3A_140 = arith.muli %add3A_138, %mul3A_139 : i32
      %swap3A_141 = arith.index_cast %mul3A_140 : i32 to index
      %swap3A_142 = tpu.vector_load %arg11[%swap3A_141] {strides = array<i32>} : memref<10000xi32, #tpu.memory_space<vmem>>, vector<16xi32>,
      tpu.vector_store %arg11[%swap3A_141], %broadcast_in_dim3A_7 {strides = array<i32>} : memref<10000xi32, #tpu.memory_space<vmem>>, vector<16xi32>,
      %scan3A_143 = arith.constant 0 : i32
      scf.yield %scan3A_143 : i32
    }
    %scan3A_15 = arith.constant 125 : i32
    %scan3A_16 = arith.constant 0 : i32
    %scan3A_17 = arith.constant 0 : i32
    %scan3A_18 = arith.constant 81 : i32
    %scan3A_19 = arith.addi %scan3A_17, %scan3A_18 : i32
    %scan3A_20 = arith.constant 1 : i32
    %scan3A_21 = scf.for %scan3A_102 = %scan3A_17 to %scan3A_19 step %scan3A_20 iter_args(%scan3A_103 = %scan3A_16) -> (i32)  : i32 {
      %mul3A_104 = arith.constant 8 : i32
      %mul3A_105 = arith.muli %scan3A_102, %mul3A_104 : i32
      %add3A_106 = arith.constant 0 : i32
      %add3A_107 = arith.addi %mul3A_105, %add3A_106 : i32
      %mul3A_108 = arith.constant 16 : i32
      %mul3A_109 = arith.muli %add3A_107, %mul3A_108 : i32
      %swap3A = arith.index_cast %mul3A_109 : i32 to index
      %swap3A_110 = tpu.vector_load %arg15[%swap3A] {strides = array<i32>} : memref<10368xi32, #tpu.memory_space<vmem>>, vector<16xi32>,
      tpu.vector_store %arg15[%swap3A], %broadcast_in_dim3A_1 {strides = array<i32>} : memref<10368xi32, #tpu.memory_space<vmem>>, vector<16xi32>,
      %mul3A_111 = arith.constant 8 : i32
      %mul3A_112 = arith.muli %scan3A_102, %mul3A_111 : i32
      %add3A_113 = arith.constant 0 : i32
      %add3A_114 = arith.addi %mul3A_112, %add3A_113 : i32
      %mul3A_115 = arith.constant 16 : i32
      %mul3A_116 = arith.muli %add3A_114, %mul3A_115 : i32
      %swap3A_117 = arith.index_cast %mul3A_116 : i32 to index
      %swap3A_118 = tpu.vector_load %arg16[%swap3A_117] {strides = array<i32>} : memref<10368xi32, #tpu.memory_space<vmem>>, vector<16xi32>,
      tpu.vector_store %arg16[%swap3A_117], %broadcast_in_dim3A_7 {strides = array<i32>} : memref<10368xi32, #tpu.memory_space<vmem>>, vector<16xi32>,
      %mul3A_119 = arith.constant 8 : i32
      %mul3A_120 = arith.muli %scan3A_102, %mul3A_119 : i32
      %add3A_121 = arith.constant 1 : i32
      %add3A_122 = arith.addi %mul3A_120, %add3A_121 : i32
      %mul3A_123 = arith.constant 16 : i32
      %mul3A_124 = arith.muli %add3A_122, %mul3A_123 : i32
      %swap3A_125 = arith.index_cast %mul3A_124 : i32 to index
      %swap3A_126 = tpu.vector_load %arg15[%swap3A_125] {strides = array<i32>} : memref<10368xi32, #tpu.memory_space<vmem>>, vector<16xi32>,
      tpu.vector_store %arg15[%swap3A_125], %broadcast_in_dim3A_1 {strides = array<i32>} : memref<10368xi32, #tpu.memory_space<vmem>>, vector<16xi32>,
      %mul3A_127 = arith.constant 8 : i32
      %mul3A_128 = arith.muli %scan3A_102, %mul3A_127 : i32
      %add3A_129 = arith.constant 1 : i32
      %add3A_130 = arith.addi %mul3A_128, %add3A_129 : i32
      %mul3A_131 = arith.constant 16 : i32
      %mul3A_132 = arith.muli %add3A_130, %mul3A_131 : i32
      %swap3A_133 = arith.index_cast %mul3A_132 : i32 to index
      %swap3A_134 = tpu.vector_load %arg16[%swap3A_133] {strides = array<i32>} : memref<10368xi32, #tpu.memory_space<vmem>>, vector<16xi32>,
      tpu.vector_store %arg16[%swap3A_133], %broadcast_in_dim3A_7 {strides = array<i32>} : memref<10368xi32, #tpu.memory_space<vmem>>, vector<16xi32>,
      %mul3A_135 = arith.constant 8 : i32
      %mul3A_136 = arith.muli %scan3A_102, %mul3A_135 : i32
      %add3A_137 = arith.constant 2 : i32
      %add3A_138 = arith.addi %mul3A_136, %add3A_137 : i32
      %mul3A_139 = arith.constant 16 : i32
      %mul3A_140 = arith.muli %add3A_138, %mul3A_139 : i32
      %swap3A_141 = arith.index_cast %mul3A_140 : i32 to index
      %swap3A_142 = tpu.vector_load %arg15[%swap3A_141] {strides = array<i32>} : memref<10368xi32, #tpu.memory_space<vmem>>, vector<16xi32>,
      tpu.vector_store %arg15[%swap3A_141], %broadcast_in_dim3A_1 {strides = array<i32>} : memref<10368xi32, #tpu.memory_space<vmem>>, vector<16xi32>,
      %mul3A_143 = arith.constant 8 : i32
      %mul3A_144 = arith.muli %scan3A_102, %mul3A_143 : i32
      %add3A_145 = arith.constant 2 : i32
      %add3A_146 = arith.addi %mul3A_144, %add3A_145 : i32
      %mul3A_147 = arith.constant 16 : i32
      %mul3A_148 = arith.muli %add3A_146, %mul3A_147 : i32
      %swap3A_149 = arith.index_cast %mul3A_148 : i32 to index
      %swap3A_150 = tpu.vector_load %arg16[%swap3A_149] {strides = array<i32>} : memref<10368xi32, #tpu.memory_space<vmem>>, vector<16xi32>,
      tpu.vector_store %arg16[%swap3A_149], %broadcast_in_dim3A_7 {strides = array<i32>} : memref<10368xi32, #tpu.memory_space<vmem>>, vector<16xi32>,
      %mul3A_151 = arith.constant 8 : i32
      %mul3A_152 = arith.muli %scan3A_102, %mul3A_151 : i32
      %add3A_153 = arith.constant 3 : i32
      %add3A_154 = arith.addi %mul3A_152, %add3A_153 : i32
      %mul3A_155 = arith.constant 16 : i32
      %mul3A_156 = arith.muli %add3A_154, %mul3A_155 : i32
      %swap3A_157 = arith.index_cast %mul3A_156 : i32 to index
      %swap3A_158 = tpu.vector_load %arg15[%swap3A_157] {strides = array<i32>} : memref<10368xi32, #tpu.memory_space<vmem>>, vector<16xi32>,
      tpu.vector_store %arg15[%swap3A_157], %broadcast_in_dim3A_1 {strides = array<i32>} : memref<10368xi32, #tpu.memory_space<vmem>>, vector<16xi32>,
      %mul3A_159 = arith.constant 8 : i32
      %mul3A_160 = arith.muli %scan3A_102, %mul3A_159 : i32
      %add3A_161 = arith.constant 3 : i32
      %add3A_162 = arith.addi %mul3A_160, %add3A_161 : i32
      %mul3A_163 = arith.constant 16 : i32
      %mul3A_164 = arith.muli %add3A_162, %mul3A_163 : i32
      %swap3A_165 = arith.index_cast %mul3A_164 : i32 to index
      %swap3A_166 = tpu.vector_load %arg16[%swap3A_165] {strides = array<i32>} : memref<10368xi32, #tpu.memory_space<vmem>>, vector<16xi32>,
      tpu.vector_store %arg16[%swap3A_165], %broadcast_in_dim3A_7 {strides = array<i32>} : memref<10368xi32, #tpu.memory_space<vmem>>, vector<16xi32>,
      %mul3A_167 = arith.constant 8 : i32
      %mul3A_168 = arith.muli %scan3A_102, %mul3A_167 : i32
      %add3A_169 = arith.constant 4 : i32
      %add3A_170 = arith.addi %mul3A_168, %add3A_169 : i32
      %mul3A_171 = arith.constant 16 : i32
      %mul3A_172 = arith.muli %add3A_170, %mul3A_171 : i32
      %swap3A_173 = arith.index_cast %mul3A_172 : i32 to index
      %swap3A_174 = tpu.vector_load %arg15[%swap3A_173] {strides = array<i32>} : memref<10368xi32, #tpu.memory_space<vmem>>, vector<16xi32>,
      tpu.vector_store %arg15[%swap3A_173], %broadcast_in_dim3A_1 {strides = array<i32>} : memref<10368xi32, #tpu.memory_space<vmem>>, vector<16xi32>,
      %mul3A_175 = arith.constant 8 : i32
      %mul3A_176 = arith.muli %scan3A_102, %mul3A_175 : i32
      %add3A_177 = arith.constant 4 : i32
      %add3A_178 = arith.addi %mul3A_176, %add3A_177 : i32
      %mul3A_179 = arith.constant 16 : i32
      %mul3A_180 = arith.muli %add3A_178, %mul3A_179 : i32
      %swap3A_181 = arith.index_cast %mul3A_180 : i32 to index
      %swap3A_182 = tpu.vector_load %arg16[%swap3A_181] {strides = array<i32>} : memref<10368xi32, #tpu.memory_space<vmem>>, vector<16xi32>,
      tpu.vector_store %arg16[%swap3A_181], %broadcast_in_dim3A_7 {strides = array<i32>} : memref<10368xi32, #tpu.memory_space<vmem>>, vector<16xi32>,
      %mul3A_183 = arith.constant 8 : i32
      %mul3A_184 = arith.muli %scan3A_102, %mul3A_183 : i32
      %add3A_185 = arith.constant 5 : i32
      %add3A_186 = arith.addi %mul3A_184, %add3A_185 : i32
      %mul3A_187 = arith.constant 16 : i32
      %mul3A_188 = arith.muli %add3A_186, %mul3A_187 : i32
      %swap3A_189 = arith.index_cast %mul3A_188 : i32 to index
      %swap3A_190 = tpu.vector_load %arg15[%swap3A_189] {strides = array<i32>} : memref<10368xi32, #tpu.memory_space<vmem>>, vector<16xi32>,
      tpu.vector_store %arg15[%swap3A_189], %broadcast_in_dim3A_1 {strides = array<i32>} : memref<10368xi32, #tpu.memory_space<vmem>>, vector<16xi32>,
      %mul3A_191 = arith.constant 8 : i32
      %mul3A_192 = arith.muli %scan3A_102, %mul3A_191 : i32
      %add3A_193 = arith.constant 5 : i32
      %add3A_194 = arith.addi %mul3A_192, %add3A_193 : i32
      %mul3A_195 = arith.constant 16 : i32
      %mul3A_196 = arith.muli %add3A_194, %mul3A_195 : i32
      %swap3A_197 = arith.index_cast %mul3A_196 : i32 to index
      %swap3A_198 = tpu.vector_load %arg16[%swap3A_197] {strides = array<i32>} : memref<10368xi32, #tpu.memory_space<vmem>>, vector<16xi32>,
      tpu.vector_store %arg16[%swap3A_197], %broadcast_in_dim3A_7 {strides = array<i32>} : memref<10368xi32, #tpu.memory_space<vmem>>, vector<16xi32>,
      %mul3A_199 = arith.constant 8 : i32
      %mul3A_200 = arith.muli %scan3A_102, %mul3A_199 : i32
      %add3A_201 = arith.constant 6 : i32
      %add3A_202 = arith.addi %mul3A_200, %add3A_201 : i32
      %mul3A_203 = arith.constant 16 : i32
      %mul3A_204 = arith.muli %add3A_202, %mul3A_203 : i32
      %swap3A_205 = arith.index_cast %mul3A_204 : i32 to index
      %swap3A_206 = tpu.vector_load %arg15[%swap3A_205] {strides = array<i32>} : memref<10368xi32, #tpu.memory_space<vmem>>, vector<16xi32>,
      tpu.vector_store %arg15[%swap3A_205], %broadcast_in_dim3A_1 {strides = array<i32>} : memref<10368xi32, #tpu.memory_space<vmem>>, vector<16xi32>,
      %mul3A_207 = arith.constant 8 : i32
      %mul3A_208 = arith.muli %scan3A_102, %mul3A_207 : i32
      %add3A_209 = arith.constant 6 : i32
      %add3A_210 = arith.addi %mul3A_208, %add3A_209 : i32
      %mul3A_211 = arith.constant 16 : i32
      %mul3A_212 = arith.muli %add3A_210, %mul3A_211 : i32
      %swap3A_213 = arith.index_cast %mul3A_212 : i32 to index
      %swap3A_214 = tpu.vector_load %arg16[%swap3A_213] {strides = array<i32>} : memref<10368xi32, #tpu.memory_space<vmem>>, vector<16xi32>,
      tpu.vector_store %arg16[%swap3A_213], %broadcast_in_dim3A_7 {strides = array<i32>} : memref<10368xi32, #tpu.memory_space<vmem>>, vector<16xi32>,
      %mul3A_215 = arith.constant 8 : i32
      %mul3A_216 = arith.muli %scan3A_102, %mul3A_215 : i32
      %add3A_217 = arith.constant 7 : i32
      %add3A_218 = arith.addi %mul3A_216, %add3A_217 : i32
      %mul3A_219 = arith.constant 16 : i32
      %mul3A_220 = arith.muli %add3A_218, %mul3A_219 : i32
      %swap3A_221 = arith.index_cast %mul3A_220 : i32 to index
      %swap3A_222 = tpu.vector_load %arg15[%swap3A_221] {strides = array<i32>} : memref<10368xi32, #tpu.memory_space<vmem>>, vector<16xi32>,
      tpu.vector_store %arg15[%swap3A_221], %broadcast_in_dim3A_1 {strides = array<i32>} : memref<10368xi32, #tpu.memory_space<vmem>>, vector<16xi32>,
      %mul3A_223 = arith.constant 8 : i32
      %mul3A_224 = arith.muli %scan3A_102, %mul3A_223 : i32
      %add3A_225 = arith.constant 7 : i32
      %add3A_226 = arith.addi %mul3A_224, %add3A_225 : i32
      %mul3A_227 = arith.constant 16 : i32
      %mul3A_228 = arith.muli %add3A_226, %mul3A_227 : i32
      %swap3A_229 = arith.index_cast %mul3A_228 : i32 to index
      %swap3A_230 = tpu.vector_load %arg16[%swap3A_229] {strides = array<i32>} : memref<10368xi32, #tpu.memory_space<vmem>>, vector<16xi32>,
      tpu.vector_store %arg16[%swap3A_229], %broadcast_in_dim3A_7 {strides = array<i32>} : memref<10368xi32, #tpu.memory_space<vmem>>, vector<16xi32>,
      %scan3A_231 = arith.constant 0 : i32
      scf.yield %scan3A_231 : i32
    }
    %scan3A_22 = arith.constant 81 : i32
    %scan3A_23 = arith.constant 0 : i32
    %scan3A_24 = arith.constant 0 : i32
    %scan3A_25 = arith.constant 256 : i32
    %scan3A_26 = arith.addi %scan3A_24, %scan3A_25 : i32
    %scan3A_27 = arith.constant 1 : i32
    %scan3A_28 = scf.for %scan3A_102 = %scan3A_24 to %scan3A_26 step %scan3A_27 iter_args(%scan3A_103 = %scan3A_23) -> (i32)  : i32 {
      %swap3A = arith.index_cast %scan3A_102 : i32 to index
      %swap3A_104 = arith.constant 0 : index
      %swap3A_105 = tpu.vector_load %arg17[%swap3A, %swap3A_104] {strides = array<i32>} : memref<256x128xf32, #tpu.memory_space<vmem>>, vector<16xf32>,
      tpu.vector_store %arg17[%swap3A, %swap3A_104], %broadcast_in_dim3A_3 {strides = array<i32>} : memref<256x128xf32, #tpu.memory_space<vmem>>, vector<16xf32>,
      %swap3A_106 = arith.index_cast %scan3A_102 : i32 to index
      %swap3A_107 = arith.constant 0 : index
      %swap3A_108 = tpu.vector_load %arg20[%swap3A_106, %swap3A_107] {strides = array<i32>} : memref<256x128xf32, #tpu.memory_space<vmem>>, vector<16xf32>,
      tpu.vector_store %arg20[%swap3A_106, %swap3A_107], %broadcast_in_dim3A_9 {strides = array<i32>} : memref<256x128xf32, #tpu.memory_space<vmem>>, vector<16xf32>,
      %swap3A_109 = arith.index_cast %scan3A_102 : i32 to index
      %swap3A_110 = arith.constant 16 : index
      %swap3A_111 = tpu.vector_load %arg17[%swap3A_109, %swap3A_110] {strides = array<i32>} : memref<256x128xf32, #tpu.memory_space<vmem>>, vector<16xf32>,
      tpu.vector_store %arg17[%swap3A_109, %swap3A_110], %broadcast_in_dim3A_3 {strides = array<i32>} : memref<256x128xf32, #tpu.memory_space<vmem>>, vector<16xf32>,
      %swap3A_112 = arith.index_cast %scan3A_102 : i32 to index
      %swap3A_113 = arith.constant 16 : index
      %swap3A_114 = tpu.vector_load %arg20[%swap3A_112, %swap3A_113] {strides = array<i32>} : memref<256x128xf32, #tpu.memory_space<vmem>>, vector<16xf32>,
      tpu.vector_store %arg20[%swap3A_112, %swap3A_113], %broadcast_in_dim3A_9 {strides = array<i32>} : memref<256x128xf32, #tpu.memory_space<vmem>>, vector<16xf32>,
      %swap3A_115 = arith.index_cast %scan3A_102 : i32 to index
      %swap3A_116 = arith.constant 32 : index
      %swap3A_117 = tpu.vector_load %arg17[%swap3A_115, %swap3A_116] {strides = array<i32>} : memref<256x128xf32, #tpu.memory_space<vmem>>, vector<16xf32>,
      tpu.vector_store %arg17[%swap3A_115, %swap3A_116], %broadcast_in_dim3A_3 {strides = array<i32>} : memref<256x128xf32, #tpu.memory_space<vmem>>, vector<16xf32>,
      %swap3A_118 = arith.index_cast %scan3A_102 : i32 to index
      %swap3A_119 = arith.constant 32 : index
      %swap3A_120 = tpu.vector_load %arg20[%swap3A_118, %swap3A_119] {strides = array<i32>} : memref<256x128xf32, #tpu.memory_space<vmem>>, vector<16xf32>,
      tpu.vector_store %arg20[%swap3A_118, %swap3A_119], %broadcast_in_dim3A_9 {strides = array<i32>} : memref<256x128xf32, #tpu.memory_space<vmem>>, vector<16xf32>,
      %swap3A_121 = arith.index_cast %scan3A_102 : i32 to index
      %swap3A_122 = arith.constant 48 : index
      %swap3A_123 = tpu.vector_load %arg17[%swap3A_121, %swap3A_122] {strides = array<i32>} : memref<256x128xf32, #tpu.memory_space<vmem>>, vector<16xf32>,
      tpu.vector_store %arg17[%swap3A_121, %swap3A_122], %broadcast_in_dim3A_3 {strides = array<i32>} : memref<256x128xf32, #tpu.memory_space<vmem>>, vector<16xf32>,
      %swap3A_124 = arith.index_cast %scan3A_102 : i32 to index
      %swap3A_125 = arith.constant 48 : index
      %swap3A_126 = tpu.vector_load %arg20[%swap3A_124, %swap3A_125] {strides = array<i32>} : memref<256x128xf32, #tpu.memory_space<vmem>>, vector<16xf32>,
      tpu.vector_store %arg20[%swap3A_124, %swap3A_125], %broadcast_in_dim3A_9 {strides = array<i32>} : memref<256x128xf32, #tpu.memory_space<vmem>>, vector<16xf32>,
      %swap3A_127 = arith.index_cast %scan3A_102 : i32 to index
      %swap3A_128 = arith.constant 64 : index
      %swap3A_129 = tpu.vector_load %arg17[%swap3A_127, %swap3A_128] {strides = array<i32>} : memref<256x128xf32, #tpu.memory_space<vmem>>, vector<16xf32>,
      tpu.vector_store %arg17[%swap3A_127, %swap3A_128], %broadcast_in_dim3A_3 {strides = array<i32>} : memref<256x128xf32, #tpu.memory_space<vmem>>, vector<16xf32>,
      %swap3A_130 = arith.index_cast %scan3A_102 : i32 to index
      %swap3A_131 = arith.constant 64 : index
      %swap3A_132 = tpu.vector_load %arg20[%swap3A_130, %swap3A_131] {strides = array<i32>} : memref<256x128xf32, #tpu.memory_space<vmem>>, vector<16xf32>,
      tpu.vector_store %arg20[%swap3A_130, %swap3A_131], %broadcast_in_dim3A_9 {strides = array<i32>} : memref<256x128xf32, #tpu.memory_space<vmem>>, vector<16xf32>,
      %swap3A_133 = arith.index_cast %scan3A_102 : i32 to index
      %swap3A_134 = arith.constant 80 : index
      %swap3A_135 = tpu.vector_load %arg17[%swap3A_133, %swap3A_134] {strides = array<i32>} : memref<256x128xf32, #tpu.memory_space<vmem>>, vector<16xf32>,
      tpu.vector_store %arg17[%swap3A_133, %swap3A_134], %broadcast_in_dim3A_3 {strides = array<i32>} : memref<256x128xf32, #tpu.memory_space<vmem>>, vector<16xf32>,
      %swap3A_136 = arith.index_cast %scan3A_102 : i32 to index
      %swap3A_137 = arith.constant 80 : index
      %swap3A_138 = tpu.vector_load %arg20[%swap3A_136, %swap3A_137] {strides = array<i32>} : memref<256x128xf32, #tpu.memory_space<vmem>>, vector<16xf32>,
      tpu.vector_store %arg20[%swap3A_136, %swap3A_137], %broadcast_in_dim3A_9 {strides = array<i32>} : memref<256x128xf32, #tpu.memory_space<vmem>>, vector<16xf32>,
      %swap3A_139 = arith.index_cast %scan3A_102 : i32 to index
      %swap3A_140 = arith.constant 96 : index
      %swap3A_141 = tpu.vector_load %arg17[%swap3A_139, %swap3A_140] {strides = array<i32>} : memref<256x128xf32, #tpu.memory_space<vmem>>, vector<16xf32>,
      tpu.vector_store %arg17[%swap3A_139, %swap3A_140], %broadcast_in_dim3A_3 {strides = array<i32>} : memref<256x128xf32, #tpu.memory_space<vmem>>, vector<16xf32>,
      %swap3A_142 = arith.index_cast %scan3A_102 : i32 to index
      %swap3A_143 = arith.constant 96 : index
      %swap3A_144 = tpu.vector_load %arg20[%swap3A_142, %swap3A_143] {strides = array<i32>} : memref<256x128xf32, #tpu.memory_space<vmem>>, vector<16xf32>,
      tpu.vector_store %arg20[%swap3A_142, %swap3A_143], %broadcast_in_dim3A_9 {strides = array<i32>} : memref<256x128xf32, #tpu.memory_space<vmem>>, vector<16xf32>,
      %swap3A_145 = arith.index_cast %scan3A_102 : i32 to index
      %swap3A_146 = arith.constant 112 : index
      %swap3A_147 = tpu.vector_load %arg17[%swap3A_145, %swap3A_146] {strides = array<i32>} : memref<256x128xf32, #tpu.memory_space<vmem>>, vector<16xf32>,
      tpu.vector_store %arg17[%swap3A_145, %swap3A_146], %broadcast_in_dim3A_3 {strides = array<i32>} : memref<256x128xf32, #tpu.memory_space<vmem>>, vector<16xf32>,
      %swap3A_148 = arith.index_cast %scan3A_102 : i32 to index
      %swap3A_149 = arith.constant 112 : index
      %swap3A_150 = tpu.vector_load %arg20[%swap3A_148, %swap3A_149] {strides = array<i32>} : memref<256x128xf32, #tpu.memory_space<vmem>>, vector<16xf32>,
      tpu.vector_store %arg20[%swap3A_148, %swap3A_149], %broadcast_in_dim3A_9 {strides = array<i32>} : memref<256x128xf32, #tpu.memory_space<vmem>>, vector<16xf32>,
      %scan3A_151 = arith.constant 0 : i32
      scf.yield %scan3A_151 : i32
    }
    %scan3A_29 = arith.constant 256 : i32
    %scan3A_30 = arith.constant 0 : i32
    %scan3A_31 = arith.constant 0 : i32
    %scan3A_32 = arith.constant 16 : i32
    %scan3A_33 = arith.addi %scan3A_31, %scan3A_32 : i32
    %scan3A_34 = arith.constant 1 : i32
    %scan3A_35 = scf.for %scan3A_102 = %scan3A_31 to %scan3A_33 step %scan3A_34 iter_args(%scan3A_103 = %scan3A_30) -> (i32)  : i32 {
      %mul3A_104 = arith.constant 16 : i32
      %mul3A_105 = arith.muli %scan3A_102, %mul3A_104 : i32
      %swap3A = arith.index_cast %mul3A_105 : i32 to index
      %swap3A_106 = tpu.vector_load %arg18[%swap3A] {strides = array<i32>} : memref<256xf32, #tpu.memory_space<vmem>>, vector<16xf32>,
      tpu.vector_store %arg18[%swap3A], %broadcast_in_dim3A_3 {strides = array<i32>} : memref<256xf32, #tpu.memory_space<vmem>>, vector<16xf32>,
      %scan3A_107 = arith.constant 0 : i32
      scf.yield %scan3A_107 : i32
    }
    %scan3A_36 = arith.constant 16 : i32
    "tpu.region"() ({
      %run_scoped3A = tpu.sem_alloc : memref<!tpu.dma_semaphore, #tpu.memory_space<semaphore_mem>>
      tpu.enqueue_dma source(%arg5 : memref<256xi32, #tpu.memory_space<hbm>>) target(%arg12 : memref<256xi32, #tpu.memory_space<vmem>>) target_semaphore(%run_scoped3A : memref<!tpu.dma_semaphore, #tpu.memory_space<semaphore_mem>>)
      tpu.wait_dma2 semaphore(%run_scoped3A : memref<!tpu.dma_semaphore, #tpu.memory_space<semaphore_mem>>) src(%arg5 : memref<256xi32, #tpu.memory_space<hbm>>) dst(%arg12 : memref<256xi32, #tpu.memory_space<vmem>>)
      tpu.yield
    }) : () -> ()
    %scan3A_37 = arith.constant 0 : i32
    %scan3A_38 = arith.constant 0 : i32
    %scan3A_39 = arith.constant 16 : i32
    %scan3A_40 = arith.addi %scan3A_38, %scan3A_39 : i32
    %scan3A_41 = arith.constant 1 : i32
    %scan3A_42 = scf.for %scan3A_102 = %scan3A_38 to %scan3A_40 step %scan3A_41 iter_args(%scan3A_103 = %scan3A_37) -> (i32)  : i32 {
      %mul3A_104 = arith.constant 16 : i32
      %mul3A_105 = arith.muli %scan3A_102, %mul3A_104 : i32
      %get3A = arith.index_cast %mul3A_105 : i32 to index
      %get3A_106 = tpu.vector_load %arg12[%get3A] {strides = array<i32>} : memref<256xi32, #tpu.memory_space<vmem>>, vector<16xi32>,
      %mul3A_107 = arith.constant 16 : i32
      %mul3A_108 = arith.muli %scan3A_102, %mul3A_107 : i32
      %add3A_109 = vector.broadcast %mul3A_108 : i32 to vector<16xi32>
      %add3A_110 = arith.addi %iota3A, %add3A_109 : vector<16xi32>
      tpu.vector_store_idx %arg11[%get3A_106], %add3A_110 : memref<10000xi32, #tpu.memory_space<vmem>>[vector<16xi32>], vector<16xi32>,
      %scan3A_111 = arith.constant 0 : i32
      scf.yield %scan3A_111 : i32
    }
    %scan3A_43 = arith.constant 16 : i32
    %scan3A_44 = arith.constant 0 : i32
    %scan3A_45 = arith.constant 0 : i32
    %scan3A_46 = arith.constant 5 : i32
    %scan3A_47 = arith.addi %scan3A_45, %scan3A_46 : i32
    %scan3A_48 = arith.constant 1 : i32
    %scan3A_49 = scf.for %scan3A_102 = %scan3A_45 to %scan3A_47 step %scan3A_48 iter_args(%scan3A_103 = %scan3A_44) -> (i32)  : i32 {
      %mul3A_104 = arith.constant 10000 : i32
      %mul3A_105 = arith.muli %add3A, %mul3A_104 : i32
      %mul3A_106 = arith.constant 2000 : i32
      %mul3A_107 = arith.muli %scan3A_102, %mul3A_106 : i32
      %add3A_108 = arith.addi %mul3A_105, %mul3A_107 : i32
      "tpu.region"() ({
        %run_scoped3A = tpu.sem_alloc : memref<!tpu.dma_semaphore, #tpu.memory_space<semaphore_mem>>
        %dma_start3A = tpu.memref_slice %arg4[%add3A_108] : memref<320000xi32, #tpu.memory_space<hbm>> -> memref<2000xi32, #tpu.memory_space<hbm>>
        %dma_start3A_115 = tpu.memref_slice %arg4[%add3A_108] : memref<320000xi32, #tpu.memory_space<hbm>> -> memref<2000xi32, #tpu.memory_space<hbm>>
        tpu.enqueue_dma source(%dma_start3A_115 : memref<2000xi32, #tpu.memory_space<hbm>>) target(%arg13 : memref<2000xi32, #tpu.memory_space<vmem>>) target_semaphore(%run_scoped3A : memref<!tpu.dma_semaphore, #tpu.memory_space<semaphore_mem>>)
        %dma_wait3A = tpu.memref_slice %arg4[%add3A_108] : memref<320000xi32, #tpu.memory_space<hbm>> -> memref<2000xi32, #tpu.memory_space<hbm>>
        %dma_wait3A_116 = tpu.memref_slice %arg4[%add3A_108] : memref<320000xi32, #tpu.memory_space<hbm>> -> memref<2000xi32, #tpu.memory_space<hbm>>
        tpu.wait_dma2 semaphore(%run_scoped3A : memref<!tpu.dma_semaphore, #tpu.memory_space<semaphore_mem>>) src(%dma_wait3A_116 : memref<2000xi32, #tpu.memory_space<hbm>>) dst(%arg13 : memref<2000xi32, #tpu.memory_space<vmem>>)
        tpu.yield
      }) : () -> ()
      "tpu.region"() ({
        %run_scoped3A = tpu.sem_alloc : memref<!tpu.dma_semaphore, #tpu.memory_space<semaphore_mem>>
        %dma_start3A = tpu.memref_slice %arg3[%add3A_108] : memref<320000xi32, #tpu.memory_space<hbm>> -> memref<2000xi32, #tpu.memory_space<hbm>>
        %dma_start3A_115 = tpu.memref_slice %arg3[%add3A_108] : memref<320000xi32, #tpu.memory_space<hbm>> -> memref<2000xi32, #tpu.memory_space<hbm>>
        tpu.enqueue_dma source(%dma_start3A_115 : memref<2000xi32, #tpu.memory_space<hbm>>) target(%arg14 : memref<2000xi32, #tpu.memory_space<vmem>>) target_semaphore(%run_scoped3A : memref<!tpu.dma_semaphore, #tpu.memory_space<semaphore_mem>>)
        %dma_wait3A = tpu.memref_slice %arg3[%add3A_108] : memref<320000xi32, #tpu.memory_space<hbm>> -> memref<2000xi32, #tpu.memory_space<hbm>>
        %dma_wait3A_116 = tpu.memref_slice %arg3[%add3A_108] : memref<320000xi32, #tpu.memory_space<hbm>> -> memref<2000xi32, #tpu.memory_space<hbm>>
        tpu.wait_dma2 semaphore(%run_scoped3A : memref<!tpu.dma_semaphore, #tpu.memory_space<semaphore_mem>>) src(%dma_wait3A_116 : memref<2000xi32, #tpu.memory_space<hbm>>) dst(%arg14 : memref<2000xi32, #tpu.memory_space<vmem>>)
        tpu.yield
      }) : () -> ()
      %scan3A_109 = arith.constant 0 : i32
      %scan3A_110 = arith.constant 125 : i32
      %scan3A_111 = arith.addi %scan3A_109, %scan3A_110 : i32
      %scan3A_112 = arith.constant 1 : i32
      %scan3A_113 = scf.for %scan3A_115 = %scan3A_109 to %scan3A_111 step %scan3A_112 iter_args(%scan3A_116 = %scan3A_103) -> (i32)  : i32 {
        %mul3A_117 = arith.constant 16 : i32
        %mul3A_118 = arith.muli %scan3A_115, %mul3A_117 : i32
        %get3A = arith.index_cast %mul3A_118 : i32 to index
        %get3A_119 = tpu.vector_load %arg13[%get3A] {strides = array<i32>} : memref<2000xi32, #tpu.memory_space<vmem>>, vector<16xi32>,
        %gather3A = tpu.vector_load_idx %arg11[%get3A_119] : memref<10000xi32, #tpu.memory_space<vmem>>[vector<16xi32>], vector<16xi32>,
        %ge3A_120 = arith.constant 0 : i32
        %ge3A_121 = vector.broadcast %ge3A_120 : i32 to vector<16xi32>
        %ge3A_122 = arith.cmpi sge, %gather3A, %ge3A_121 : vector<16xi32>
        %select_n3A_123 = arith.select %ge3A_122, %broadcast_in_dim3A_5, %broadcast_in_dim3A_1 : vector<16xi1>, vector<16xi32>
        %broadcast_in_dim3A_124 = arith.constant true
        %broadcast_in_dim3A_125 = vector.broadcast %broadcast_in_dim3A_124 : i1 to vector<16xi1>
        %masked_cumsum3A = tpu.scan <sum>, %select_n3A_123 masked %broadcast_in_dim3A_125 : vector<16xi32>, vector<16xi1> -> vector<16xi32>
        %add3A_126 = vector.broadcast %scan3A_116 : i32 to vector<16xi32>
        %add3A_127 = arith.addi %add3A_126, %masked_cumsum3A : vector<16xi32>
        %sub3A_128 = arith.constant 1 : i32
        %sub3A_129 = vector.broadcast %sub3A_128 : i32 to vector<16xi32>
        %sub3A_130 = arith.subi %add3A_127, %sub3A_129 : vector<16xi32>
        %mul3A_131 = arith.constant 16 : i32
        %mul3A_132 = arith.muli %scan3A_115, %mul3A_131 : i32
        %get3A_133 = arith.index_cast %mul3A_132 : i32 to index
        %get3A_134 = tpu.vector_load %arg14[%get3A_133] {strides = array<i32>} : memref<2000xi32, #tpu.memory_space<vmem>>, vector<16xi32>,
        tpu.vector_store_idx %arg15[%sub3A_130], %get3A_134 masked %ge3A_122 : memref<10368xi32, #tpu.memory_space<vmem>>[vector<16xi32>], vector<16xi32>, vector<16xi1>
        tpu.vector_store_idx %arg16[%sub3A_130], %gather3A masked %ge3A_122 : memref<10368xi32, #tpu.memory_space<vmem>>[vector<16xi32>], vector<16xi32>, vector<16xi1>
        %reduce_max3A = arith.constant true
        %reduce_max3A_135 = vector.broadcast %reduce_max3A : i1 to vector<16xi1>
        %reduce_max3A_136 = arith.constant -2147483648 : i32
        %reduce_max3A_137 = vector.broadcast %reduce_max3A_136 : i32 to vector<16xi32>
        %reduce_max3A_138 = arith.xori %masked_cumsum3A, %reduce_max3A_137 : vector<16xi32>
        %reduce_max3A_139 = tpu.scan <max>, %reduce_max3A_138 masked %reduce_max3A_135 : vector<16xi32>, vector<16xi1> -> vector<16xi32>
        %reduce_max3A_140 = arith.xori %reduce_max3A_139, %reduce_max3A_137 : vector<16xi32>
        %reduce_max3A_141 = vector.extract %reduce_max3A_140[15] : i32 from vector<16xi32>
        %add3A_142 = arith.addi %scan3A_116, %reduce_max3A_141 : i32
        scf.yield %add3A_142 : i32
      }
      %scan3A_114 = arith.constant 125 : i32
      scf.yield %scan3A_113 : i32
    }
    %scan3A_50 = arith.constant 5 : i32
    %add3A_51 = arith.constant 64 : i32
    %add3A_52 = arith.addi %scan3A_49, %add3A_51 : i32
    %sub3A = arith.constant 1 : i32
    %sub3A_53 = arith.subi %add3A_52, %sub3A : i32
    %jit3A = arith.constant 64 : i32
    %div3A = arith.divsi %sub3A_53, %jit3A : i32
    %sign3A = arith.constant 0 : i32
    %sign3A_54 = arith.cmpi sgt, %sub3A_53, %sign3A : i32
    %sign3A_55 = arith.extui %sign3A_54 : i1 to i32
    %sign3A_56 = arith.constant 0 : i32
    %sign3A_57 = arith.cmpi slt, %sub3A_53, %sign3A_56 : i32
    %sign3A_58 = arith.extui %sign3A_57 : i1 to i32
    %sign3A_59 = arith.subi %sign3A_55, %sign3A_58 : i32
    %sign3A_60 = arith.constant 0 : i32
    %sign3A_61 = arith.cmpi sgt, %jit3A, %sign3A_60 : i32
    %sign3A_62 = arith.extui %sign3A_61 : i1 to i32
    %sign3A_63 = arith.constant 0 : i32
    %sign3A_64 = arith.cmpi slt, %jit3A, %sign3A_63 : i32
    %sign3A_65 = arith.extui %sign3A_64 : i1 to i32
    %sign3A_66 = arith.subi %sign3A_62, %sign3A_65 : i32
    %ne3A = arith.cmpi ne, %sign3A_59, %sign3A_66 : i32
    %rem3A = arith.remsi %sub3A_53, %jit3A : i32
    %ne3A_67 = arith.constant 0 : i32
    %ne3A_68 = arith.cmpi ne, %rem3A, %ne3A_67 : i32
    %and3A = arith.andi %ne3A, %ne3A_68 : i1
    %sub3A_69 = arith.constant 1 : i32
    %sub3A_70 = arith.subi %div3A, %sub3A_69 : i32
    %select_n3A = arith.select %and3A, %sub3A_70, %div3A : i32
    %broadcast_in_dim3A_71 = arith.constant 1.000000e+00 : f32
    %broadcast_in_dim3A_72 = vector.broadcast %broadcast_in_dim3A_71 : f32 to vector<16xf32>
    %eq3A = arith.constant 0 : i32
    %eq3A_73 = vector.broadcast %eq3A : i32 to vector<16xi32>
    %eq3A_74 = arith.cmpi eq, %iota3A, %eq3A_73 : vector<16xi32>
    %while3A = arith.constant 0 : i32
    %while3A_75 = arith.constant 0 : i32
    %while3A_76 = arith.subi %select_n3A, %while3A : i32
    %while3A_77 = arith.addi %while3A, %while3A_76 : i32
    %while3A_78 = arith.constant 1 : i32
    %while3A_79 = arith.divsi %while3A_76, %while3A_78 : i32
    %while3A_80 = arith.muli %while3A_79, %while3A_78 : i32
    %while3A_81 = arith.addi %while3A, %while3A_80 : i32
    %while3A_82 = arith.constant 1 : i32
    %while3A_83 = scf.for %while3A_102 = %while3A to %while3A_81 step %while3A_82 iter_args(%while3A_103 = %while3A_75) -> (i32)  : i32 {
      %mul3A_104 = arith.constant 64 : i32
      %mul3A_105 = arith.muli %while3A_102, %mul3A_104 : i32
      %dma_start3A = tpu.memref_slice %arg15[%mul3A_105] : memref<10368xi32, #tpu.memory_space<vmem>> -> memref<64xi32, #tpu.memory_space<vmem>>
      %dma_start3A_106 = arith.constant 0 : i32
      %dma_start3A_107 = arith.constant 0 : i32
      %dma_start3A_108 = tpu.memref_slice %arg2[%dma_start3A_106, %dma_start3A_107] : memref<10000x128xf32, #tpu.memory_space<hbm>> -> memref<10000x128xf32, #tpu.memory_space<hbm>>
      tpu.enqueue_indirect_dma source(%dma_start3A_108 : memref<10000x128xf32, #tpu.memory_space<hbm>>) target(%arg19 : memref<64x128xf32, #tpu.memory_space<vmem>>) offsets(%dma_start3A : memref<64xi32, #tpu.memory_space<vmem>>) semaphore(%arg22 : memref<!tpu.dma_semaphore, #tpu.memory_space<semaphore_mem>>)
      %dma_wait3A = tpu.memref_slice %arg15[%mul3A_105] : memref<10368xi32, #tpu.memory_space<vmem>> -> memref<64xi32, #tpu.memory_space<vmem>>
      %dma_wait3A_109 = arith.constant 0 : i32
      %dma_wait3A_110 = arith.constant 0 : i32
      %dma_wait3A_111 = tpu.memref_slice %arg2[%dma_wait3A_109, %dma_wait3A_110] : memref<10000x128xf32, #tpu.memory_space<hbm>> -> memref<10000x128xf32, #tpu.memory_space<hbm>>
      tpu.wait_indirect_dma semaphore(%arg22 : memref<!tpu.dma_semaphore, #tpu.memory_space<semaphore_mem>>) src(%dma_wait3A_111 : memref<10000x128xf32, #tpu.memory_space<hbm>>) dst(%arg19 : memref<64x128xf32, #tpu.memory_space<vmem>>)
      %scan3A_112 = arith.constant 0 : i32
      %scan3A_113 = arith.constant 0 : i32
      %scan3A_114 = arith.constant 64 : i32
      %scan3A_115 = arith.addi %scan3A_113, %scan3A_114 : i32
      %scan3A_116 = arith.constant 1 : i32
      %scan3A_117 = scf.for %scan3A_120 = %scan3A_113 to %scan3A_115 step %scan3A_116 iter_args(%scan3A_121 = %scan3A_112) -> (i32)  : i32 {
        %mul3A_122 = arith.constant 64 : i32
        %mul3A_123 = arith.muli %while3A_102, %mul3A_122 : i32
        %add3A_124 = arith.addi %mul3A_123, %scan3A_120 : i32
        %get3A = arith.index_cast %add3A_124 : i32 to index
        %get3A_125 = tpu.vector_load %arg16[%get3A] {strides = array<i32>} : memref<10368xi32, #tpu.memory_space<vmem>>, vector<16xi32>,
        %slice3A = vector.extract_strided_slice %get3A_125 {offsets = [0], sizes = [1], strides = [1]} : vector<16xi32> to vector<1xi32>
        %squeeze3A = vector.extract %slice3A[0] : i32 from vector<1xi32>
        %ge3A_126 = arith.constant 0 : i32
        %ge3A_127 = arith.cmpi sge, %squeeze3A, %ge3A_126 : i32
        %convert_element_type3A_128 = arith.extui %ge3A_127 : i1 to i32
        %cond3A_129 = arith.constant 0 : i32
        %cond3A_130 = arith.cmpi ne, %convert_element_type3A_128, %cond3A_129 : i32
        scf.if %cond3A_130 {
          %add3A_132 = vector.broadcast %squeeze3A : i32 to vector<16xi32>
          %add3A_133 = arith.addi %broadcast_in_dim3A_1, %add3A_132 : vector<16xi32>
          tpu.vector_store_idx %arg18[%add3A_133], %broadcast_in_dim3A_72 masked %eq3A_74 {add = true} : memref<256xf32, #tpu.memory_space<vmem>>[vector<16xi32>], vector<16xf32>, vector<16xi1>
          %get3A_134 = arith.index_cast %scan3A_120 : i32 to index
          %get3A_135 = arith.constant 0 : index
          %get3A_136 = tpu.vector_load %arg19[%get3A_134, %get3A_135] {strides = array<i32>} : memref<64x128xf32, #tpu.memory_space<vmem>>, vector<16xf32>,
          %add3A_137 = arith.constant 0 : i32
          %add3A_138 = vector.broadcast %add3A_137 : i32 to vector<16xi32>
          %add3A_139 = arith.addi %add3A_138, %iota3A : vector<16xi32>
          tpu.vector_store_idx %arg17[%add3A_133, %add3A_139], %get3A_136 {add = true} : memref<256x128xf32, #tpu.memory_space<vmem>>[vector<16xi32>, vector<16xi32>], vector<16xf32>,
          %get3A_140 = arith.index_cast %scan3A_120 : i32 to index
          %get3A_141 = arith.constant 16 : index
          %get3A_142 = tpu.vector_load %arg19[%get3A_140, %get3A_141] {strides = array<i32>} : memref<64x128xf32, #tpu.memory_space<vmem>>, vector<16xf32>,
          %add3A_143 = arith.constant 16 : i32
          %add3A_144 = vector.broadcast %add3A_143 : i32 to vector<16xi32>
          %add3A_145 = arith.addi %add3A_144, %iota3A : vector<16xi32>
          tpu.vector_store_idx %arg17[%add3A_133, %add3A_145], %get3A_142 {add = true} : memref<256x128xf32, #tpu.memory_space<vmem>>[vector<16xi32>, vector<16xi32>], vector<16xf32>,
          %get3A_146 = arith.index_cast %scan3A_120 : i32 to index
          %get3A_147 = arith.constant 32 : index
          %get3A_148 = tpu.vector_load %arg19[%get3A_146, %get3A_147] {strides = array<i32>} : memref<64x128xf32, #tpu.memory_space<vmem>>, vector<16xf32>,
          %add3A_149 = arith.constant 32 : i32
          %add3A_150 = vector.broadcast %add3A_149 : i32 to vector<16xi32>
          %add3A_151 = arith.addi %add3A_150, %iota3A : vector<16xi32>
          tpu.vector_store_idx %arg17[%add3A_133, %add3A_151], %get3A_148 {add = true} : memref<256x128xf32, #tpu.memory_space<vmem>>[vector<16xi32>, vector<16xi32>], vector<16xf32>,
          %get3A_152 = arith.index_cast %scan3A_120 : i32 to index
          %get3A_153 = arith.constant 48 : index
          %get3A_154 = tpu.vector_load %arg19[%get3A_152, %get3A_153] {strides = array<i32>} : memref<64x128xf32, #tpu.memory_space<vmem>>, vector<16xf32>,
          %add3A_155 = arith.constant 48 : i32
          %add3A_156 = vector.broadcast %add3A_155 : i32 to vector<16xi32>
          %add3A_157 = arith.addi %add3A_156, %iota3A : vector<16xi32>
          tpu.vector_store_idx %arg17[%add3A_133, %add3A_157], %get3A_154 {add = true} : memref<256x128xf32, #tpu.memory_space<vmem>>[vector<16xi32>, vector<16xi32>], vector<16xf32>,
          %get3A_158 = arith.index_cast %scan3A_120 : i32 to index
          %get3A_159 = arith.constant 64 : index
          %get3A_160 = tpu.vector_load %arg19[%get3A_158, %get3A_159] {strides = array<i32>} : memref<64x128xf32, #tpu.memory_space<vmem>>, vector<16xf32>,
          %add3A_161 = arith.constant 64 : i32
          %add3A_162 = vector.broadcast %add3A_161 : i32 to vector<16xi32>
          %add3A_163 = arith.addi %add3A_162, %iota3A : vector<16xi32>
          tpu.vector_store_idx %arg17[%add3A_133, %add3A_163], %get3A_160 {add = true} : memref<256x128xf32, #tpu.memory_space<vmem>>[vector<16xi32>, vector<16xi32>], vector<16xf32>,
          %get3A_164 = arith.index_cast %scan3A_120 : i32 to index
          %get3A_165 = arith.constant 80 : index
          %get3A_166 = tpu.vector_load %arg19[%get3A_164, %get3A_165] {strides = array<i32>} : memref<64x128xf32, #tpu.memory_space<vmem>>, vector<16xf32>,
          %add3A_167 = arith.constant 80 : i32
          %add3A_168 = vector.broadcast %add3A_167 : i32 to vector<16xi32>
          %add3A_169 = arith.addi %add3A_168, %iota3A : vector<16xi32>
          tpu.vector_store_idx %arg17[%add3A_133, %add3A_169], %get3A_166 {add = true} : memref<256x128xf32, #tpu.memory_space<vmem>>[vector<16xi32>, vector<16xi32>], vector<16xf32>,
          %get3A_170 = arith.index_cast %scan3A_120 : i32 to index
          %get3A_171 = arith.constant 96 : index
          %get3A_172 = tpu.vector_load %arg19[%get3A_170, %get3A_171] {strides = array<i32>} : memref<64x128xf32, #tpu.memory_space<vmem>>, vector<16xf32>,
          %add3A_173 = arith.constant 96 : i32
          %add3A_174 = vector.broadcast %add3A_173 : i32 to vector<16xi32>
          %add3A_175 = arith.addi %add3A_174, %iota3A : vector<16xi32>
          tpu.vector_store_idx %arg17[%add3A_133, %add3A_175], %get3A_172 {add = true} : memref<256x128xf32, #tpu.memory_space<vmem>>[vector<16xi32>, vector<16xi32>], vector<16xf32>,
          %get3A_176 = arith.index_cast %scan3A_120 : i32 to index
          %get3A_177 = arith.constant 112 : index
          %get3A_178 = tpu.vector_load %arg19[%get3A_176, %get3A_177] {strides = array<i32>} : memref<64x128xf32, #tpu.memory_space<vmem>>, vector<16xf32>,
          %add3A_179 = arith.constant 112 : i32
          %add3A_180 = vector.broadcast %add3A_179 : i32 to vector<16xi32>
          %add3A_181 = arith.addi %add3A_180, %iota3A : vector<16xi32>
          tpu.vector_store_idx %arg17[%add3A_133, %add3A_181], %get3A_178 {add = true} : memref<256x128xf32, #tpu.memory_space<vmem>>[vector<16xi32>, vector<16xi32>], vector<16xf32>,
        } else {
        }
        %scan3A_131 = arith.constant 0 : i32
        scf.yield %scan3A_131 : i32
      }
      %scan3A_118 = arith.constant 64 : i32
      %while3A_119 = arith.constant 0 : i32
      scf.yield %while3A_119 : i32
    }
    %while3A_84 = arith.constant 1 : i32
    %while3A_85 = scf.for %while3A_102 = %while3A_81 to %while3A_77 step %while3A_84 iter_args(%while3A_103 = %while3A_83) -> (i32)  : i32 {
      %mul3A_104 = arith.constant 64 : i32
      %mul3A_105 = arith.muli %while3A_102, %mul3A_104 : i32
      %dma_start3A = tpu.memref_slice %arg15[%mul3A_105] : memref<10368xi32, #tpu.memory_space<vmem>> -> memref<64xi32, #tpu.memory_space<vmem>>
      %dma_start3A_106 = arith.constant 0 : i32
      %dma_start3A_107 = arith.constant 0 : i32
      %dma_start3A_108 = tpu.memref_slice %arg2[%dma_start3A_106, %dma_start3A_107] : memref<10000x128xf32, #tpu.memory_space<hbm>> -> memref<10000x128xf32, #tpu.memory_space<hbm>>
      tpu.enqueue_indirect_dma source(%dma_start3A_108 : memref<10000x128xf32, #tpu.memory_space<hbm>>) target(%arg19 : memref<64x128xf32, #tpu.memory_space<vmem>>) offsets(%dma_start3A : memref<64xi32, #tpu.memory_space<vmem>>) semaphore(%arg22 : memref<!tpu.dma_semaphore, #tpu.memory_space<semaphore_mem>>)
      %dma_wait3A = tpu.memref_slice %arg15[%mul3A_105] : memref<10368xi32, #tpu.memory_space<vmem>> -> memref<64xi32, #tpu.memory_space<vmem>>
      %dma_wait3A_109 = arith.constant 0 : i32
      %dma_wait3A_110 = arith.constant 0 : i32
      %dma_wait3A_111 = tpu.memref_slice %arg2[%dma_wait3A_109, %dma_wait3A_110] : memref<10000x128xf32, #tpu.memory_space<hbm>> -> memref<10000x128xf32, #tpu.memory_space<hbm>>
      tpu.wait_indirect_dma semaphore(%arg22 : memref<!tpu.dma_semaphore, #tpu.memory_space<semaphore_mem>>) src(%dma_wait3A_111 : memref<10000x128xf32, #tpu.memory_space<hbm>>) dst(%arg19 : memref<64x128xf32, #tpu.memory_space<vmem>>)
      %scan3A_112 = arith.constant 0 : i32
      %scan3A_113 = arith.constant 0 : i32
      %scan3A_114 = arith.constant 64 : i32
      %scan3A_115 = arith.addi %scan3A_113, %scan3A_114 : i32
      %scan3A_116 = arith.constant 1 : i32
      %scan3A_117 = scf.for %scan3A_120 = %scan3A_113 to %scan3A_115 step %scan3A_116 iter_args(%scan3A_121 = %scan3A_112) -> (i32)  : i32 {
        %mul3A_122 = arith.constant 64 : i32
        %mul3A_123 = arith.muli %while3A_102, %mul3A_122 : i32
        %add3A_124 = arith.addi %mul3A_123, %scan3A_120 : i32
        %get3A = arith.index_cast %add3A_124 : i32 to index
        %get3A_125 = tpu.vector_load %arg16[%get3A] {strides = array<i32>} : memref<10368xi32, #tpu.memory_space<vmem>>, vector<16xi32>,
        %slice3A = vector.extract_strided_slice %get3A_125 {offsets = [0], sizes = [1], strides = [1]} : vector<16xi32> to vector<1xi32>
        %squeeze3A = vector.extract %slice3A[0] : i32 from vector<1xi32>
        %ge3A_126 = arith.constant 0 : i32
        %ge3A_127 = arith.cmpi sge, %squeeze3A, %ge3A_126 : i32
        %convert_element_type3A_128 = arith.extui %ge3A_127 : i1 to i32
        %cond3A_129 = arith.constant 0 : i32
        %cond3A_130 = arith.cmpi ne, %convert_element_type3A_128, %cond3A_129 : i32
        scf.if %cond3A_130 {
          %add3A_132 = vector.broadcast %squeeze3A : i32 to vector<16xi32>
          %add3A_133 = arith.addi %broadcast_in_dim3A_1, %add3A_132 : vector<16xi32>
          tpu.vector_store_idx %arg18[%add3A_133], %broadcast_in_dim3A_72 masked %eq3A_74 {add = true} : memref<256xf32, #tpu.memory_space<vmem>>[vector<16xi32>], vector<16xf32>, vector<16xi1>
          %get3A_134 = arith.index_cast %scan3A_120 : i32 to index
          %get3A_135 = arith.constant 0 : index
          %get3A_136 = tpu.vector_load %arg19[%get3A_134, %get3A_135] {strides = array<i32>} : memref<64x128xf32, #tpu.memory_space<vmem>>, vector<16xf32>,
          %add3A_137 = arith.constant 0 : i32
          %add3A_138 = vector.broadcast %add3A_137 : i32 to vector<16xi32>
          %add3A_139 = arith.addi %add3A_138, %iota3A : vector<16xi32>
          tpu.vector_store_idx %arg17[%add3A_133, %add3A_139], %get3A_136 {add = true} : memref<256x128xf32, #tpu.memory_space<vmem>>[vector<16xi32>, vector<16xi32>], vector<16xf32>,
          %get3A_140 = arith.index_cast %scan3A_120 : i32 to index
          %get3A_141 = arith.constant 16 : index
          %get3A_142 = tpu.vector_load %arg19[%get3A_140, %get3A_141] {strides = array<i32>} : memref<64x128xf32, #tpu.memory_space<vmem>>, vector<16xf32>,
          %add3A_143 = arith.constant 16 : i32
          %add3A_144 = vector.broadcast %add3A_143 : i32 to vector<16xi32>
          %add3A_145 = arith.addi %add3A_144, %iota3A : vector<16xi32>
          tpu.vector_store_idx %arg17[%add3A_133, %add3A_145], %get3A_142 {add = true} : memref<256x128xf32, #tpu.memory_space<vmem>>[vector<16xi32>, vector<16xi32>], vector<16xf32>,
          %get3A_146 = arith.index_cast %scan3A_120 : i32 to index
          %get3A_147 = arith.constant 32 : index
          %get3A_148 = tpu.vector_load %arg19[%get3A_146, %get3A_147] {strides = array<i32>} : memref<64x128xf32, #tpu.memory_space<vmem>>, vector<16xf32>,
          %add3A_149 = arith.constant 32 : i32
          %add3A_150 = vector.broadcast %add3A_149 : i32 to vector<16xi32>
          %add3A_151 = arith.addi %add3A_150, %iota3A : vector<16xi32>
          tpu.vector_store_idx %arg17[%add3A_133, %add3A_151], %get3A_148 {add = true} : memref<256x128xf32, #tpu.memory_space<vmem>>[vector<16xi32>, vector<16xi32>], vector<16xf32>,
          %get3A_152 = arith.index_cast %scan3A_120 : i32 to index
          %get3A_153 = arith.constant 48 : index
          %get3A_154 = tpu.vector_load %arg19[%get3A_152, %get3A_153] {strides = array<i32>} : memref<64x128xf32, #tpu.memory_space<vmem>>, vector<16xf32>,
          %add3A_155 = arith.constant 48 : i32
          %add3A_156 = vector.broadcast %add3A_155 : i32 to vector<16xi32>
          %add3A_157 = arith.addi %add3A_156, %iota3A : vector<16xi32>
          tpu.vector_store_idx %arg17[%add3A_133, %add3A_157], %get3A_154 {add = true} : memref<256x128xf32, #tpu.memory_space<vmem>>[vector<16xi32>, vector<16xi32>], vector<16xf32>,
          %get3A_158 = arith.index_cast %scan3A_120 : i32 to index
          %get3A_159 = arith.constant 64 : index
          %get3A_160 = tpu.vector_load %arg19[%get3A_158, %get3A_159] {strides = array<i32>} : memref<64x128xf32, #tpu.memory_space<vmem>>, vector<16xf32>,
          %add3A_161 = arith.constant 64 : i32
          %add3A_162 = vector.broadcast %add3A_161 : i32 to vector<16xi32>
          %add3A_163 = arith.addi %add3A_162, %iota3A : vector<16xi32>
          tpu.vector_store_idx %arg17[%add3A_133, %add3A_163], %get3A_160 {add = true} : memref<256x128xf32, #tpu.memory_space<vmem>>[vector<16xi32>, vector<16xi32>], vector<16xf32>,
          %get3A_164 = arith.index_cast %scan3A_120 : i32 to index
          %get3A_165 = arith.constant 80 : index
          %get3A_166 = tpu.vector_load %arg19[%get3A_164, %get3A_165] {strides = array<i32>} : memref<64x128xf32, #tpu.memory_space<vmem>>, vector<16xf32>,
          %add3A_167 = arith.constant 80 : i32
          %add3A_168 = vector.broadcast %add3A_167 : i32 to vector<16xi32>
          %add3A_169 = arith.addi %add3A_168, %iota3A : vector<16xi32>
          tpu.vector_store_idx %arg17[%add3A_133, %add3A_169], %get3A_166 {add = true} : memref<256x128xf32, #tpu.memory_space<vmem>>[vector<16xi32>, vector<16xi32>], vector<16xf32>,
          %get3A_170 = arith.index_cast %scan3A_120 : i32 to index
          %get3A_171 = arith.constant 96 : index
          %get3A_172 = tpu.vector_load %arg19[%get3A_170, %get3A_171] {strides = array<i32>} : memref<64x128xf32, #tpu.memory_space<vmem>>, vector<16xf32>,
          %add3A_173 = arith.constant 96 : i32
          %add3A_174 = vector.broadcast %add3A_173 : i32 to vector<16xi32>
          %add3A_175 = arith.addi %add3A_174, %iota3A : vector<16xi32>
          tpu.vector_store_idx %arg17[%add3A_133, %add3A_175], %get3A_172 {add = true} : memref<256x128xf32, #tpu.memory_space<vmem>>[vector<16xi32>, vector<16xi32>], vector<16xf32>,
          %get3A_176 = arith.index_cast %scan3A_120 : i32 to index
          %get3A_177 = arith.constant 112 : index
          %get3A_178 = tpu.vector_load %arg19[%get3A_176, %get3A_177] {strides = array<i32>} : memref<64x128xf32, #tpu.memory_space<vmem>>, vector<16xf32>,
          %add3A_179 = arith.constant 112 : i32
          %add3A_180 = vector.broadcast %add3A_179 : i32 to vector<16xi32>
          %add3A_181 = arith.addi %add3A_180, %iota3A : vector<16xi32>
          tpu.vector_store_idx %arg17[%add3A_133, %add3A_181], %get3A_178 {add = true} : memref<256x128xf32, #tpu.memory_space<vmem>>[vector<16xi32>, vector<16xi32>], vector<16xf32>,
        } else {
        }
        %scan3A_131 = arith.constant 0 : i32
        scf.yield %scan3A_131 : i32
      }
      %scan3A_118 = arith.constant 64 : i32
      %while3A_119 = arith.constant 0 : i32
      scf.yield %while3A_119 : i32
    }
    %mul3A_86 = arith.constant 320 : i32
    %mul3A_87 = arith.muli %add3A, %mul3A_86 : i32
    %scan3A_88 = arith.constant -1 : i32
    %scan3A_89 = arith.constant 0 : i32
    %scan3A_90 = arith.constant 5 : i32
    %scan3A_91 = arith.addi %scan3A_89, %scan3A_90 : i32
    %scan3A_92 = arith.constant 1 : i32
    %scan3A_93:9 = scf.for %scan3A_102 = %scan3A_89 to %scan3A_91 step %scan3A_92 iter_args(%scan3A_103 = %scan3A_88, %scan3A_104 = %broadcast_in_dim3A_9, %scan3A_105 = %broadcast_in_dim3A_9, %scan3A_106 = %broadcast_in_dim3A_9, %scan3A_107 = %broadcast_in_dim3A_9, %scan3A_108 = %broadcast_in_dim3A_9, %scan3A_109 = %broadcast_in_dim3A_9, %scan3A_110 = %broadcast_in_dim3A_9, %scan3A_111 = %broadcast_in_dim3A_9) -> (i32, vector<16xf32>, vector<16xf32>, vector<16xf32>, vector<16xf32>, vector<16xf32>, vector<16xf32>, vector<16xf32>, vector<16xf32>)  : i32 {
      %mul3A_112 = arith.constant 64 : i32
      %mul3A_113 = arith.muli %scan3A_102, %mul3A_112 : i32
      %add3A_114 = arith.addi %mul3A_87, %mul3A_113 : i32
      %min3A = arith.constant 9936 : i32
      %min3A_115 = arith.minsi %add3A_114, %min3A : i32
      "tpu.region"() ({
        %run_scoped3A = tpu.sem_alloc : memref<!tpu.dma_semaphore, #tpu.memory_space<semaphore_mem>>
        %dma_start3A = arith.constant 0 : i32
        %dma_start3A_122 = tpu.memref_slice %arg2[%min3A_115, %dma_start3A] : memref<10000x128xf32, #tpu.memory_space<hbm>> -> memref<64x128xf32, #tpu.memory_space<hbm>>
        %dma_start3A_123 = arith.constant 0 : i32
        %dma_start3A_124 = tpu.memref_slice %arg2[%min3A_115, %dma_start3A_123] : memref<10000x128xf32, #tpu.memory_space<hbm>> -> memref<64x128xf32, #tpu.memory_space<hbm>>
        tpu.enqueue_dma source(%dma_start3A_124 : memref<64x128xf32, #tpu.memory_space<hbm>>) target(%arg19 : memref<64x128xf32, #tpu.memory_space<vmem>>) target_semaphore(%run_scoped3A : memref<!tpu.dma_semaphore, #tpu.memory_space<semaphore_mem>>)
        %dma_wait3A = arith.constant 0 : i32
        %dma_wait3A_125 = tpu.memref_slice %arg2[%min3A_115, %dma_wait3A] : memref<10000x128xf32, #tpu.memory_space<hbm>> -> memref<64x128xf32, #tpu.memory_space<hbm>>
        %dma_wait3A_126 = arith.constant 0 : i32
        %dma_wait3A_127 = tpu.memref_slice %arg2[%min3A_115, %dma_wait3A_126] : memref<10000x128xf32, #tpu.memory_space<hbm>> -> memref<64x128xf32, #tpu.memory_space<hbm>>
        tpu.wait_dma2 semaphore(%run_scoped3A : memref<!tpu.dma_semaphore, #tpu.memory_space<semaphore_mem>>) src(%dma_wait3A_127 : memref<64x128xf32, #tpu.memory_space<hbm>>) dst(%arg19 : memref<64x128xf32, #tpu.memory_space<vmem>>)
        tpu.yield
      }) : () -> ()
      "tpu.region"() ({
        %run_scoped3A = tpu.sem_alloc : memref<!tpu.dma_semaphore, #tpu.memory_space<semaphore_mem>>
        %dma_start3A = arith.constant 0 : i32
        %dma_start3A_122 = tpu.memref_slice %arg21[%dma_start3A] : memref<80xi32, #tpu.memory_space<vmem>> -> memref<64xi32, #tpu.memory_space<vmem>>
        %dma_start3A_123 = tpu.memref_slice %arg6[%min3A_115] : memref<10000xi32, #tpu.memory_space<hbm>> -> memref<64xi32, #tpu.memory_space<hbm>>
        %dma_start3A_124 = arith.constant 0 : i32
        %dma_start3A_125 = tpu.memref_slice %arg21[%dma_start3A_124] : memref<80xi32, #tpu.memory_space<vmem>> -> memref<64xi32, #tpu.memory_space<vmem>>
        %dma_start3A_126 = tpu.memref_slice %arg6[%min3A_115] : memref<10000xi32, #tpu.memory_space<hbm>> -> memref<64xi32, #tpu.memory_space<hbm>>
        tpu.enqueue_dma source(%dma_start3A_126 : memref<64xi32, #tpu.memory_space<hbm>>) target(%dma_start3A_125 : memref<64xi32, #tpu.memory_space<vmem>>) target_semaphore(%run_scoped3A : memref<!tpu.dma_semaphore, #tpu.memory_space<semaphore_mem>>)
        %dma_wait3A = arith.constant 0 : i32
        %dma_wait3A_127 = tpu.memref_slice %arg21[%dma_wait3A] : memref<80xi32, #tpu.memory_space<vmem>> -> memref<64xi32, #tpu.memory_space<vmem>>
        %dma_wait3A_128 = tpu.memref_slice %arg6[%min3A_115] : memref<10000xi32, #tpu.memory_space<hbm>> -> memref<64xi32, #tpu.memory_space<hbm>>
        %dma_wait3A_129 = arith.constant 0 : i32
        %dma_wait3A_130 = tpu.memref_slice %arg21[%dma_wait3A_129] : memref<80xi32, #tpu.memory_space<vmem>> -> memref<64xi32, #tpu.memory_space<vmem>>
        %dma_wait3A_131 = tpu.memref_slice %arg6[%min3A_115] : memref<10000xi32, #tpu.memory_space<hbm>> -> memref<64xi32, #tpu.memory_space<hbm>>
        tpu.wait_dma2 semaphore(%run_scoped3A : memref<!tpu.dma_semaphore, #tpu.memory_space<semaphore_mem>>) src(%dma_wait3A_131 : memref<64xi32, #tpu.memory_space<hbm>>) dst(%dma_wait3A_130 : memref<64xi32, #tpu.memory_space<vmem>>)
        tpu.yield
      }) : () -> ()
      %scan3A_116 = arith.constant 0 : i32
      %scan3A_117 = arith.constant 64 : i32
      %scan3A_118 = arith.addi %scan3A_116, %scan3A_117 : i32
      %scan3A_119 = arith.constant 1 : i32
      %scan3A_120:9 = scf.for %scan3A_122 = %scan3A_116 to %scan3A_118 step %scan3A_119 iter_args(%scan3A_123 = %scan3A_103, %scan3A_124 = %scan3A_104, %scan3A_125 = %scan3A_105, %scan3A_126 = %scan3A_106, %scan3A_127 = %scan3A_107, %scan3A_128 = %scan3A_108, %scan3A_129 = %scan3A_109, %scan3A_130 = %scan3A_110, %scan3A_131 = %scan3A_111) -> (i32, vector<16xf32>, vector<16xf32>, vector<16xf32>, vector<16xf32>, vector<16xf32>, vector<16xf32>, vector<16xf32>, vector<16xf32>)  : i32 {
        %get3A = arith.index_cast %scan3A_122 : i32 to index
        %get3A_132 = tpu.vector_load %arg21[%get3A] {strides = array<i32>} : memref<80xi32, #tpu.memory_space<vmem>>, vector<16xi32>,
        %slice3A = vector.extract_strided_slice %get3A_132 {offsets = [0], sizes = [1], strides = [1]} : vector<16xi32> to vector<1xi32>
        %squeeze3A = vector.extract %slice3A[0] : i32 from vector<1xi32>
        %ne3A_133 = arith.cmpi ne, %squeeze3A, %scan3A_123 : i32
        %ge3A_134 = arith.constant 0 : i32
        %ge3A_135 = arith.cmpi sge, %scan3A_123, %ge3A_134 : i32
        %and3A_136 = arith.andi %ne3A_133, %ge3A_135 : i1
        %convert_element_type3A_137 = arith.extui %and3A_136 : i1 to i32
        %cond3A_138 = arith.constant 0 : i32
        %cond3A_139 = arith.cmpi ne, %convert_element_type3A_137, %cond3A_138 : i32
        scf.if %cond3A_139 {
          %add3A_179 = vector.broadcast %scan3A_123 : i32 to vector<16xi32>
          %add3A_180 = arith.addi %broadcast_in_dim3A_1, %add3A_179 : vector<16xi32>
          %add3A_181 = arith.constant 0 : i32
          %add3A_182 = vector.broadcast %add3A_181 : i32 to vector<16xi32>
          %add3A_183 = arith.addi %add3A_182, %iota3A : vector<16xi32>
          %gather3A = tpu.vector_load_idx %arg20[%add3A_180, %add3A_183] : memref<256x128xf32, #tpu.memory_space<vmem>>[vector<16xi32>, vector<16xi32>], vector<16xf32>,
          %add3A_184 = arith.constant 0 : i32
          %add3A_185 = vector.broadcast %add3A_184 : i32 to vector<16xi32>
          %add3A_186 = arith.addi %add3A_185, %iota3A : vector<16xi32>
          %max3A_187 = arith.maximumf %gather3A, %scan3A_124 : vector<16xf32>
          tpu.vector_store_idx %arg20[%add3A_180, %add3A_186], %max3A_187 : memref<256x128xf32, #tpu.memory_space<vmem>>[vector<16xi32>, vector<16xi32>], vector<16xf32>,
          %add3A_188 = arith.constant 16 : i32
          %add3A_189 = vector.broadcast %add3A_188 : i32 to vector<16xi32>
          %add3A_190 = arith.addi %add3A_189, %iota3A : vector<16xi32>
          %gather3A_191 = tpu.vector_load_idx %arg20[%add3A_180, %add3A_190] : memref<256x128xf32, #tpu.memory_space<vmem>>[vector<16xi32>, vector<16xi32>], vector<16xf32>,
          %add3A_192 = arith.constant 16 : i32
          %add3A_193 = vector.broadcast %add3A_192 : i32 to vector<16xi32>
          %add3A_194 = arith.addi %add3A_193, %iota3A : vector<16xi32>
          %max3A_195 = arith.maximumf %gather3A_191, %scan3A_125 : vector<16xf32>
          tpu.vector_store_idx %arg20[%add3A_180, %add3A_194], %max3A_195 : memref<256x128xf32, #tpu.memory_space<vmem>>[vector<16xi32>, vector<16xi32>], vector<16xf32>,
          %add3A_196 = arith.constant 32 : i32
          %add3A_197 = vector.broadcast %add3A_196 : i32 to vector<16xi32>
          %add3A_198 = arith.addi %add3A_197, %iota3A : vector<16xi32>
          %gather3A_199 = tpu.vector_load_idx %arg20[%add3A_180, %add3A_198] : memref<256x128xf32, #tpu.memory_space<vmem>>[vector<16xi32>, vector<16xi32>], vector<16xf32>,
          %add3A_200 = arith.constant 32 : i32
          %add3A_201 = vector.broadcast %add3A_200 : i32 to vector<16xi32>
          %add3A_202 = arith.addi %add3A_201, %iota3A : vector<16xi32>
          %max3A_203 = arith.maximumf %gather3A_199, %scan3A_126 : vector<16xf32>
          tpu.vector_store_idx %arg20[%add3A_180, %add3A_202], %max3A_203 : memref<256x128xf32, #tpu.memory_space<vmem>>[vector<16xi32>, vector<16xi32>], vector<16xf32>,
          %add3A_204 = arith.constant 48 : i32
          %add3A_205 = vector.broadcast %add3A_204 : i32 to vector<16xi32>
          %add3A_206 = arith.addi %add3A_205, %iota3A : vector<16xi32>
          %gather3A_207 = tpu.vector_load_idx %arg20[%add3A_180, %add3A_206] : memref<256x128xf32, #tpu.memory_space<vmem>>[vector<16xi32>, vector<16xi32>], vector<16xf32>,
          %add3A_208 = arith.constant 48 : i32
          %add3A_209 = vector.broadcast %add3A_208 : i32 to vector<16xi32>
          %add3A_210 = arith.addi %add3A_209, %iota3A : vector<16xi32>
          %max3A_211 = arith.maximumf %gather3A_207, %scan3A_127 : vector<16xf32>
          tpu.vector_store_idx %arg20[%add3A_180, %add3A_210], %max3A_211 : memref<256x128xf32, #tpu.memory_space<vmem>>[vector<16xi32>, vector<16xi32>], vector<16xf32>,
          %add3A_212 = arith.constant 64 : i32
          %add3A_213 = vector.broadcast %add3A_212 : i32 to vector<16xi32>
          %add3A_214 = arith.addi %add3A_213, %iota3A : vector<16xi32>
          %gather3A_215 = tpu.vector_load_idx %arg20[%add3A_180, %add3A_214] : memref<256x128xf32, #tpu.memory_space<vmem>>[vector<16xi32>, vector<16xi32>], vector<16xf32>,
          %add3A_216 = arith.constant 64 : i32
          %add3A_217 = vector.broadcast %add3A_216 : i32 to vector<16xi32>
          %add3A_218 = arith.addi %add3A_217, %iota3A : vector<16xi32>
          %max3A_219 = arith.maximumf %gather3A_215, %scan3A_128 : vector<16xf32>
          tpu.vector_store_idx %arg20[%add3A_180, %add3A_218], %max3A_219 : memref<256x128xf32, #tpu.memory_space<vmem>>[vector<16xi32>, vector<16xi32>], vector<16xf32>,
          %add3A_220 = arith.constant 80 : i32
          %add3A_221 = vector.broadcast %add3A_220 : i32 to vector<16xi32>
          %add3A_222 = arith.addi %add3A_221, %iota3A : vector<16xi32>
          %gather3A_223 = tpu.vector_load_idx %arg20[%add3A_180, %add3A_222] : memref<256x128xf32, #tpu.memory_space<vmem>>[vector<16xi32>, vector<16xi32>], vector<16xf32>,
          %add3A_224 = arith.constant 80 : i32
          %add3A_225 = vector.broadcast %add3A_224 : i32 to vector<16xi32>
          %add3A_226 = arith.addi %add3A_225, %iota3A : vector<16xi32>
          %max3A_227 = arith.maximumf %gather3A_223, %scan3A_129 : vector<16xf32>
          tpu.vector_store_idx %arg20[%add3A_180, %add3A_226], %max3A_227 : memref<256x128xf32, #tpu.memory_space<vmem>>[vector<16xi32>, vector<16xi32>], vector<16xf32>,
          %add3A_228 = arith.constant 96 : i32
          %add3A_229 = vector.broadcast %add3A_228 : i32 to vector<16xi32>
          %add3A_230 = arith.addi %add3A_229, %iota3A : vector<16xi32>
          %gather3A_231 = tpu.vector_load_idx %arg20[%add3A_180, %add3A_230] : memref<256x128xf32, #tpu.memory_space<vmem>>[vector<16xi32>, vector<16xi32>], vector<16xf32>,
          %add3A_232 = arith.constant 96 : i32
          %add3A_233 = vector.broadcast %add3A_232 : i32 to vector<16xi32>
          %add3A_234 = arith.addi %add3A_233, %iota3A : vector<16xi32>
          %max3A_235 = arith.maximumf %gather3A_231, %scan3A_130 : vector<16xf32>
          tpu.vector_store_idx %arg20[%add3A_180, %add3A_234], %max3A_235 : memref<256x128xf32, #tpu.memory_space<vmem>>[vector<16xi32>, vector<16xi32>], vector<16xf32>,
          %add3A_236 = arith.constant 112 : i32
          %add3A_237 = vector.broadcast %add3A_236 : i32 to vector<16xi32>
          %add3A_238 = arith.addi %add3A_237, %iota3A : vector<16xi32>
          %gather3A_239 = tpu.vector_load_idx %arg20[%add3A_180, %add3A_238] : memref<256x128xf32, #tpu.memory_space<vmem>>[vector<16xi32>, vector<16xi32>], vector<16xf32>,
          %add3A_240 = arith.constant 112 : i32
          %add3A_241 = vector.broadcast %add3A_240 : i32 to vector<16xi32>
          %add3A_242 = arith.addi %add3A_241, %iota3A : vector<16xi32>
          %max3A_243 = arith.maximumf %gather3A_239, %scan3A_131 : vector<16xf32>
          tpu.vector_store_idx %arg20[%add3A_180, %add3A_242], %max3A_243 : memref<256x128xf32, #tpu.memory_space<vmem>>[vector<16xi32>, vector<16xi32>], vector<16xf32>,
        } else {
        }
        %get3A_140 = arith.index_cast %scan3A_122 : i32 to index
        %get3A_141 = arith.constant 0 : index
        %get3A_142 = tpu.vector_load %arg19[%get3A_140, %get3A_141] {strides = array<i32>} : memref<64x128xf32, #tpu.memory_space<vmem>>, vector<16xf32>,
        %select_n3A_143 = arith.select %ne3A_133, %broadcast_in_dim3A_9, %scan3A_124 : vector<16xf32>
        %max3A = arith.maximumf %select_n3A_143, %get3A_142 : vector<16xf32>
        %get3A_144 = arith.index_cast %scan3A_122 : i32 to index
        %get3A_145 = arith.constant 16 : index
        %get3A_146 = tpu.vector_load %arg19[%get3A_144, %get3A_145] {strides = array<i32>} : memref<64x128xf32, #tpu.memory_space<vmem>>, vector<16xf32>,
        %select_n3A_147 = arith.select %ne3A_133, %broadcast_in_dim3A_9, %scan3A_125 : vector<16xf32>
        %max3A_148 = arith.maximumf %select_n3A_147, %get3A_146 : vector<16xf32>
        %get3A_149 = arith.index_cast %scan3A_122 : i32 to index
        %get3A_150 = arith.constant 32 : index
        %get3A_151 = tpu.vector_load %arg19[%get3A_149, %get3A_150] {strides = array<i32>} : memref<64x128xf32, #tpu.memory_space<vmem>>, vector<16xf32>,
        %select_n3A_152 = arith.select %ne3A_133, %broadcast_in_dim3A_9, %scan3A_126 : vector<16xf32>
        %max3A_153 = arith.maximumf %select_n3A_152, %get3A_151 : vector<16xf32>
        %get3A_154 = arith.index_cast %scan3A_122 : i32 to index
        %get3A_155 = arith.constant 48 : index
        %get3A_156 = tpu.vector_load %arg19[%get3A_154, %get3A_155] {strides = array<i32>} : memref<64x128xf32, #tpu.memory_space<vmem>>, vector<16xf32>,
        %select_n3A_157 = arith.select %ne3A_133, %broadcast_in_dim3A_9, %scan3A_127 : vector<16xf32>
        %max3A_158 = arith.maximumf %select_n3A_157, %get3A_156 : vector<16xf32>
        %get3A_159 = arith.index_cast %scan3A_122 : i32 to index
        %get3A_160 = arith.constant 64 : index
        %get3A_161 = tpu.vector_load %arg19[%get3A_159, %get3A_160] {strides = array<i32>} : memref<64x128xf32, #tpu.memory_space<vmem>>, vector<16xf32>,
        %select_n3A_162 = arith.select %ne3A_133, %broadcast_in_dim3A_9, %scan3A_128 : vector<16xf32>
        %max3A_163 = arith.maximumf %select_n3A_162, %get3A_161 : vector<16xf32>
        %get3A_164 = arith.index_cast %scan3A_122 : i32 to index
        %get3A_165 = arith.constant 80 : index
        %get3A_166 = tpu.vector_load %arg19[%get3A_164, %get3A_165] {strides = array<i32>} : memref<64x128xf32, #tpu.memory_space<vmem>>, vector<16xf32>,
        %select_n3A_167 = arith.select %ne3A_133, %broadcast_in_dim3A_9, %scan3A_129 : vector<16xf32>
        %max3A_168 = arith.maximumf %select_n3A_167, %get3A_166 : vector<16xf32>
        %get3A_169 = arith.index_cast %scan3A_122 : i32 to index
        %get3A_170 = arith.constant 96 : index
        %get3A_171 = tpu.vector_load %arg19[%get3A_169, %get3A_170] {strides = array<i32>} : memref<64x128xf32, #tpu.memory_space<vmem>>, vector<16xf32>,
        %select_n3A_172 = arith.select %ne3A_133, %broadcast_in_dim3A_9, %scan3A_130 : vector<16xf32>
        %max3A_173 = arith.maximumf %select_n3A_172, %get3A_171 : vector<16xf32>
        %get3A_174 = arith.index_cast %scan3A_122 : i32 to index
        %get3A_175 = arith.constant 112 : index
        %get3A_176 = tpu.vector_load %arg19[%get3A_174, %get3A_175] {strides = array<i32>} : memref<64x128xf32, #tpu.memory_space<vmem>>, vector<16xf32>,
        %select_n3A_177 = arith.select %ne3A_133, %broadcast_in_dim3A_9, %scan3A_131 : vector<16xf32>
        %max3A_178 = arith.maximumf %select_n3A_177, %get3A_176 : vector<16xf32>
        scf.yield %squeeze3A, %max3A, %max3A_148, %max3A_153, %max3A_158, %max3A_163, %max3A_168, %max3A_173, %max3A_178 : i32, vector<16xf32>, vector<16xf32>, vector<16xf32>, vector<16xf32>, vector<16xf32>, vector<16xf32>, vector<16xf32>, vector<16xf32>
      }
      %scan3A_121 = arith.constant 64 : i32
      scf.yield %scan3A_120#0, %scan3A_120#1, %scan3A_120#2, %scan3A_120#3, %scan3A_120#4, %scan3A_120#5, %scan3A_120#6, %scan3A_120#7, %scan3A_120#8 : i32, vector<16xf32>, vector<16xf32>, vector<16xf32>, vector<16xf32>, vector<16xf32>, vector<16xf32>, vector<16xf32>, vector<16xf32>
    }
    %scan3A_94 = arith.constant 5 : i32
    %ge3A = arith.constant 0 : i32
    %ge3A_95 = arith.cmpi sge, %scan3A_93#0, %ge3A : i32
    %convert_element_type3A = arith.extui %ge3A_95 : i1 to i32
    %cond3A = arith.constant 0 : i32
    %cond3A_96 = arith.cmpi ne, %convert_element_type3A, %cond3A : i32
    scf.if %cond3A_96 {
      %add3A_102 = vector.broadcast %scan3A_93#0 : i32 to vector<16xi32>
      %add3A_103 = arith.addi %broadcast_in_dim3A_1, %add3A_102 : vector<16xi32>
      %add3A_104 = arith.constant 0 : i32
      %add3A_105 = vector.broadcast %add3A_104 : i32 to vector<16xi32>
      %add3A_106 = arith.addi %add3A_105, %iota3A : vector<16xi32>
      %gather3A = tpu.vector_load_idx %arg20[%add3A_103, %add3A_106] : memref<256x128xf32, #tpu.memory_space<vmem>>[vector<16xi32>, vector<16xi32>], vector<16xf32>,
      %add3A_107 = arith.constant 0 : i32
      %add3A_108 = vector.broadcast %add3A_107 : i32 to vector<16xi32>
      %add3A_109 = arith.addi %add3A_108, %iota3A : vector<16xi32>
      %max3A = arith.maximumf %gather3A, %scan3A_93#1 : vector<16xf32>
      tpu.vector_store_idx %arg20[%add3A_103, %add3A_109], %max3A : memref<256x128xf32, #tpu.memory_space<vmem>>[vector<16xi32>, vector<16xi32>], vector<16xf32>,
      %add3A_110 = arith.constant 16 : i32
      %add3A_111 = vector.broadcast %add3A_110 : i32 to vector<16xi32>
      %add3A_112 = arith.addi %add3A_111, %iota3A : vector<16xi32>
      %gather3A_113 = tpu.vector_load_idx %arg20[%add3A_103, %add3A_112] : memref<256x128xf32, #tpu.memory_space<vmem>>[vector<16xi32>, vector<16xi32>], vector<16xf32>,
      %add3A_114 = arith.constant 16 : i32
      %add3A_115 = vector.broadcast %add3A_114 : i32 to vector<16xi32>
      %add3A_116 = arith.addi %add3A_115, %iota3A : vector<16xi32>
      %max3A_117 = arith.maximumf %gather3A_113, %scan3A_93#2 : vector<16xf32>
      tpu.vector_store_idx %arg20[%add3A_103, %add3A_116], %max3A_117 : memref<256x128xf32, #tpu.memory_space<vmem>>[vector<16xi32>, vector<16xi32>], vector<16xf32>,
      %add3A_118 = arith.constant 32 : i32
      %add3A_119 = vector.broadcast %add3A_118 : i32 to vector<16xi32>
      %add3A_120 = arith.addi %add3A_119, %iota3A : vector<16xi32>
      %gather3A_121 = tpu.vector_load_idx %arg20[%add3A_103, %add3A_120] : memref<256x128xf32, #tpu.memory_space<vmem>>[vector<16xi32>, vector<16xi32>], vector<16xf32>,
      %add3A_122 = arith.constant 32 : i32
      %add3A_123 = vector.broadcast %add3A_122 : i32 to vector<16xi32>
      %add3A_124 = arith.addi %add3A_123, %iota3A : vector<16xi32>
      %max3A_125 = arith.maximumf %gather3A_121, %scan3A_93#3 : vector<16xf32>
      tpu.vector_store_idx %arg20[%add3A_103, %add3A_124], %max3A_125 : memref<256x128xf32, #tpu.memory_space<vmem>>[vector<16xi32>, vector<16xi32>], vector<16xf32>,
      %add3A_126 = arith.constant 48 : i32
      %add3A_127 = vector.broadcast %add3A_126 : i32 to vector<16xi32>
      %add3A_128 = arith.addi %add3A_127, %iota3A : vector<16xi32>
      %gather3A_129 = tpu.vector_load_idx %arg20[%add3A_103, %add3A_128] : memref<256x128xf32, #tpu.memory_space<vmem>>[vector<16xi32>, vector<16xi32>], vector<16xf32>,
      %add3A_130 = arith.constant 48 : i32
      %add3A_131 = vector.broadcast %add3A_130 : i32 to vector<16xi32>
      %add3A_132 = arith.addi %add3A_131, %iota3A : vector<16xi32>
      %max3A_133 = arith.maximumf %gather3A_129, %scan3A_93#4 : vector<16xf32>
      tpu.vector_store_idx %arg20[%add3A_103, %add3A_132], %max3A_133 : memref<256x128xf32, #tpu.memory_space<vmem>>[vector<16xi32>, vector<16xi32>], vector<16xf32>,
      %add3A_134 = arith.constant 64 : i32
      %add3A_135 = vector.broadcast %add3A_134 : i32 to vector<16xi32>
      %add3A_136 = arith.addi %add3A_135, %iota3A : vector<16xi32>
      %gather3A_137 = tpu.vector_load_idx %arg20[%add3A_103, %add3A_136] : memref<256x128xf32, #tpu.memory_space<vmem>>[vector<16xi32>, vector<16xi32>], vector<16xf32>,
      %add3A_138 = arith.constant 64 : i32
      %add3A_139 = vector.broadcast %add3A_138 : i32 to vector<16xi32>
      %add3A_140 = arith.addi %add3A_139, %iota3A : vector<16xi32>
      %max3A_141 = arith.maximumf %gather3A_137, %scan3A_93#5 : vector<16xf32>
      tpu.vector_store_idx %arg20[%add3A_103, %add3A_140], %max3A_141 : memref<256x128xf32, #tpu.memory_space<vmem>>[vector<16xi32>, vector<16xi32>], vector<16xf32>,
      %add3A_142 = arith.constant 80 : i32
      %add3A_143 = vector.broadcast %add3A_142 : i32 to vector<16xi32>
      %add3A_144 = arith.addi %add3A_143, %iota3A : vector<16xi32>
      %gather3A_145 = tpu.vector_load_idx %arg20[%add3A_103, %add3A_144] : memref<256x128xf32, #tpu.memory_space<vmem>>[vector<16xi32>, vector<16xi32>], vector<16xf32>,
      %add3A_146 = arith.constant 80 : i32
      %add3A_147 = vector.broadcast %add3A_146 : i32 to vector<16xi32>
      %add3A_148 = arith.addi %add3A_147, %iota3A : vector<16xi32>
      %max3A_149 = arith.maximumf %gather3A_145, %scan3A_93#6 : vector<16xf32>
      tpu.vector_store_idx %arg20[%add3A_103, %add3A_148], %max3A_149 : memref<256x128xf32, #tpu.memory_space<vmem>>[vector<16xi32>, vector<16xi32>], vector<16xf32>,
      %add3A_150 = arith.constant 96 : i32
      %add3A_151 = vector.broadcast %add3A_150 : i32 to vector<16xi32>
      %add3A_152 = arith.addi %add3A_151, %iota3A : vector<16xi32>
      %gather3A_153 = tpu.vector_load_idx %arg20[%add3A_103, %add3A_152] : memref<256x128xf32, #tpu.memory_space<vmem>>[vector<16xi32>, vector<16xi32>], vector<16xf32>,
      %add3A_154 = arith.constant 96 : i32
      %add3A_155 = vector.broadcast %add3A_154 : i32 to vector<16xi32>
      %add3A_156 = arith.addi %add3A_155, %iota3A : vector<16xi32>
      %max3A_157 = arith.maximumf %gather3A_153, %scan3A_93#7 : vector<16xf32>
      tpu.vector_store_idx %arg20[%add3A_103, %add3A_156], %max3A_157 : memref<256x128xf32, #tpu.memory_space<vmem>>[vector<16xi32>, vector<16xi32>], vector<16xf32>,
      %add3A_158 = arith.constant 112 : i32
      %add3A_159 = vector.broadcast %add3A_158 : i32 to vector<16xi32>
      %add3A_160 = arith.addi %add3A_159, %iota3A : vector<16xi32>
      %gather3A_161 = tpu.vector_load_idx %arg20[%add3A_103, %add3A_160] : memref<256x128xf32, #tpu.memory_space<vmem>>[vector<16xi32>, vector<16xi32>], vector<16xf32>,
      %add3A_162 = arith.constant 112 : i32
      %add3A_163 = vector.broadcast %add3A_162 : i32 to vector<16xi32>
      %add3A_164 = arith.addi %add3A_163, %iota3A : vector<16xi32>
      %max3A_165 = arith.maximumf %gather3A_161, %scan3A_93#8 : vector<16xf32>
      tpu.vector_store_idx %arg20[%add3A_103, %add3A_164], %max3A_165 : memref<256x128xf32, #tpu.memory_space<vmem>>[vector<16xi32>, vector<16xi32>], vector<16xf32>,
    } else {
    }
    "tpu.region"() ({
      %run_scoped3A = tpu.sem_alloc : memref<!tpu.dma_semaphore, #tpu.memory_space<semaphore_mem>>
      %dma_start3A = arith.constant 0 : i32
      %dma_start3A_102 = arith.constant 0 : i32
      %dma_start3A_103 = tpu.memref_slice %arg7[%add3A, %dma_start3A, %dma_start3A_102] : memref<32x256x128xf32, #tpu.memory_space<hbm>> -> memref<1x256x128xf32, #tpu.memory_space<hbm>>
      %dma_start3A_104 = tpu.memref_squeeze %dma_start3A_103 : memref<1x256x128xf32, #tpu.memory_space<hbm>> -> memref<256x128xf32, #tpu.memory_space<hbm>>
      %dma_start3A_105 = arith.constant 0 : i32
      %dma_start3A_106 = arith.constant 0 : i32
      %dma_start3A_107 = tpu.memref_slice %arg7[%add3A, %dma_start3A_105, %dma_start3A_106] : memref<32x256x128xf32, #tpu.memory_space<hbm>> -> memref<1x256x128xf32, #tpu.memory_space<hbm>>
      %dma_start3A_108 = tpu.memref_squeeze %dma_start3A_107 : memref<1x256x128xf32, #tpu.memory_space<hbm>> -> memref<256x128xf32, #tpu.memory_space<hbm>>
      tpu.enqueue_dma source(%arg17 : memref<256x128xf32, #tpu.memory_space<vmem>>) target(%dma_start3A_108 : memref<256x128xf32, #tpu.memory_space<hbm>>) target_semaphore(%run_scoped3A : memref<!tpu.dma_semaphore, #tpu.memory_space<semaphore_mem>>)
      %dma_wait3A = arith.constant 0 : i32
      %dma_wait3A_109 = arith.constant 0 : i32
      %dma_wait3A_110 = tpu.memref_slice %arg7[%add3A, %dma_wait3A, %dma_wait3A_109] : memref<32x256x128xf32, #tpu.memory_space<hbm>> -> memref<1x256x128xf32, #tpu.memory_space<hbm>>
      %dma_wait3A_111 = tpu.memref_squeeze %dma_wait3A_110 : memref<1x256x128xf32, #tpu.memory_space<hbm>> -> memref<256x128xf32, #tpu.memory_space<hbm>>
      %dma_wait3A_112 = arith.constant 0 : i32
      %dma_wait3A_113 = arith.constant 0 : i32
      %dma_wait3A_114 = tpu.memref_slice %arg7[%add3A, %dma_wait3A_112, %dma_wait3A_113] : memref<32x256x128xf32, #tpu.memory_space<hbm>> -> memref<1x256x128xf32, #tpu.memory_space<hbm>>
      %dma_wait3A_115 = tpu.memref_squeeze %dma_wait3A_114 : memref<1x256x128xf32, #tpu.memory_space<hbm>> -> memref<256x128xf32, #tpu.memory_space<hbm>>
      tpu.wait_dma2 semaphore(%run_scoped3A : memref<!tpu.dma_semaphore, #tpu.memory_space<semaphore_mem>>) src(%arg17 : memref<256x128xf32, #tpu.memory_space<vmem>>) dst(%dma_wait3A_115 : memref<256x128xf32, #tpu.memory_space<hbm>>)
      tpu.yield
    }) : () -> ()
    "tpu.region"() ({
      %run_scoped3A = tpu.sem_alloc : memref<!tpu.dma_semaphore, #tpu.memory_space<semaphore_mem>>
      %dma_start3A = arith.constant 0 : i32
      %dma_start3A_102 = tpu.memref_slice %arg8[%add3A, %dma_start3A] : memref<32x256xf32, #tpu.memory_space<hbm>> -> memref<1x256xf32, #tpu.memory_space<hbm>>
      %dma_start3A_103 = tpu.memref_squeeze %dma_start3A_102 : memref<1x256xf32, #tpu.memory_space<hbm>> -> memref<256xf32, #tpu.memory_space<hbm>>
      %dma_start3A_104 = arith.constant 0 : i32
      %dma_start3A_105 = tpu.memref_slice %arg8[%add3A, %dma_start3A_104] : memref<32x256xf32, #tpu.memory_space<hbm>> -> memref<1x256xf32, #tpu.memory_space<hbm>>
      %dma_start3A_106 = tpu.memref_squeeze %dma_start3A_105 : memref<1x256xf32, #tpu.memory_space<hbm>> -> memref<256xf32, #tpu.memory_space<hbm>>
      tpu.enqueue_dma source(%arg18 : memref<256xf32, #tpu.memory_space<vmem>>) target(%dma_start3A_106 : memref<256xf32, #tpu.memory_space<hbm>>) target_semaphore(%run_scoped3A : memref<!tpu.dma_semaphore, #tpu.memory_space<semaphore_mem>>)
      %dma_wait3A = arith.constant 0 : i32
      %dma_wait3A_107 = tpu.memref_slice %arg8[%add3A, %dma_wait3A] : memref<32x256xf32, #tpu.memory_space<hbm>> -> memref<1x256xf32, #tpu.memory_space<hbm>>
      %dma_wait3A_108 = tpu.memref_squeeze %dma_wait3A_107 : memref<1x256xf32, #tpu.memory_space<hbm>> -> memref<256xf32, #tpu.memory_space<hbm>>
      %dma_wait3A_109 = arith.constant 0 : i32
      %dma_wait3A_110 = tpu.memref_slice %arg8[%add3A, %dma_wait3A_109] : memref<32x256xf32, #tpu.memory_space<hbm>> -> memref<1x256xf32, #tpu.memory_space<hbm>>
      %dma_wait3A_111 = tpu.memref_squeeze %dma_wait3A_110 : memref<1x256xf32, #tpu.memory_space<hbm>> -> memref<256xf32, #tpu.memory_space<hbm>>
      tpu.wait_dma2 semaphore(%run_scoped3A : memref<!tpu.dma_semaphore, #tpu.memory_space<semaphore_mem>>) src(%arg18 : memref<256xf32, #tpu.memory_space<vmem>>) dst(%dma_wait3A_111 : memref<256xf32, #tpu.memory_space<hbm>>)
      tpu.yield
    }) : () -> ()
    "tpu.region"() ({
      %run_scoped3A = tpu.sem_alloc : memref<!tpu.dma_semaphore, #tpu.memory_space<semaphore_mem>>
      %dma_start3A = arith.constant 0 : i32
      %dma_start3A_102 = arith.constant 0 : i32
      %dma_start3A_103 = tpu.memref_slice %arg9[%add3A, %dma_start3A, %dma_start3A_102] : memref<32x256x128xf32, #tpu.memory_space<hbm>> -> memref<1x256x128xf32, #tpu.memory_space<hbm>>
      %dma_start3A_104 = tpu.memref_squeeze %dma_start3A_103 : memref<1x256x128xf32, #tpu.memory_space<hbm>> -> memref<256x128xf32, #tpu.memory_space<hbm>>
      %dma_start3A_105 = arith.constant 0 : i32
      %dma_start3A_106 = arith.constant 0 : i32
      %dma_start3A_107 = tpu.memref_slice %arg9[%add3A, %dma_start3A_105, %dma_start3A_106] : memref<32x256x128xf32, #tpu.memory_space<hbm>> -> memref<1x256x128xf32, #tpu.memory_space<hbm>>
      %dma_start3A_108 = tpu.memref_squeeze %dma_start3A_107 : memref<1x256x128xf32, #tpu.memory_space<hbm>> -> memref<256x128xf32, #tpu.memory_space<hbm>>
      tpu.enqueue_dma source(%arg20 : memref<256x128xf32, #tpu.memory_space<vmem>>) target(%dma_start3A_108 : memref<256x128xf32, #tpu.memory_space<hbm>>) target_semaphore(%run_scoped3A : memref<!tpu.dma_semaphore, #tpu.memory_space<semaphore_mem>>)
      %dma_wait3A = arith.constant 0 : i32
      %dma_wait3A_109 = arith.constant 0 : i32
      %dma_wait3A_110 = tpu.memref_slice %arg9[%add3A, %dma_wait3A, %dma_wait3A_109] : memref<32x256x128xf32, #tpu.memory_space<hbm>> -> memref<1x256x128xf32, #tpu.memory_space<hbm>>
      %dma_wait3A_111 = tpu.memref_squeeze %dma_wait3A_110 : memref<1x256x128xf32, #tpu.memory_space<hbm>> -> memref<256x128xf32, #tpu.memory_space<hbm>>
      %dma_wait3A_112 = arith.constant 0 : i32
      %dma_wait3A_113 = arith.constant 0 : i32
      %dma_wait3A_114 = tpu.memref_slice %arg9[%add3A, %dma_wait3A_112, %dma_wait3A_113] : memref<32x256x128xf32, #tpu.memory_space<hbm>> -> memref<1x256x128xf32, #tpu.memory_space<hbm>>
      %dma_wait3A_115 = tpu.memref_squeeze %dma_wait3A_114 : memref<1x256x128xf32, #tpu.memory_space<hbm>> -> memref<256x128xf32, #tpu.memory_space<hbm>>
      tpu.wait_dma2 semaphore(%run_scoped3A : memref<!tpu.dma_semaphore, #tpu.memory_space<semaphore_mem>>) src(%arg20 : memref<256x128xf32, #tpu.memory_space<vmem>>) dst(%dma_wait3A_115 : memref<256x128xf32, #tpu.memory_space<hbm>>)
      tpu.yield
    }) : () -> ()
    %eq3A_97 = arith.constant 0 : i32
    %eq3A_98 = arith.cmpi eq, %add3A, %eq3A_97 : i32
    %convert_element_type3A_99 = arith.extui %eq3A_98 : i1 to i32
    %cond3A_100 = arith.constant 0 : i32
    %cond3A_101 = arith.cmpi ne, %convert_element_type3A_99, %cond3A_100 : i32
    scf.if %cond3A_101 {
      %scan3A_102 = arith.constant 0 : i32
      %scan3A_103 = arith.constant 0 : i32
      %scan3A_104 = arith.constant 16 : i32
      %scan3A_105 = arith.addi %scan3A_103, %scan3A_104 : i32
      %scan3A_106 = arith.constant 1 : i32
      %scan3A_107 = scf.for %scan3A_109 = %scan3A_103 to %scan3A_105 step %scan3A_106 iter_args(%scan3A_110 = %scan3A_102) -> (i32)  : i32 {
        %mul3A_111 = arith.constant 16 : i32
        %mul3A_112 = arith.muli %scan3A_109, %mul3A_111 : i32
        %get3A = arith.index_cast %mul3A_112 : i32 to index
        %get3A_113 = tpu.vector_load %arg12[%get3A] {strides = array<i32>} : memref<256xi32, #tpu.memory_space<vmem>>, vector<16xi32>,
        %gather3A = tpu.vector_load_idx %arg11[%get3A_113] : memref<10000xi32, #tpu.memory_space<vmem>>[vector<16xi32>], vector<16xi32>,
        %mul3A_114 = arith.constant 16 : i32
        %mul3A_115 = arith.muli %scan3A_109, %mul3A_114 : i32
        %swap3A = arith.index_cast %mul3A_115 : i32 to index
        %swap3A_116 = tpu.vector_load %arg16[%swap3A] {strides = array<i32>} : memref<10368xi32, #tpu.memory_space<vmem>>, vector<16xi32>,
        tpu.vector_store %arg16[%swap3A], %gather3A {strides = array<i32>} : memref<10368xi32, #tpu.memory_space<vmem>>, vector<16xi32>,
        %scan3A_117 = arith.constant 0 : i32
        scf.yield %scan3A_117 : i32
      }
      %scan3A_108 = arith.constant 16 : i32
      "tpu.region"() ({
        %run_scoped3A = tpu.sem_alloc : memref<!tpu.dma_semaphore, #tpu.memory_space<semaphore_mem>>
        %dma_start3A = arith.constant 0 : i32
        %dma_start3A_109 = tpu.memref_slice %arg16[%dma_start3A] : memref<10368xi32, #tpu.memory_space<vmem>> -> memref<256xi32, #tpu.memory_space<vmem>>
        %dma_start3A_110 = arith.constant 0 : i32
        %dma_start3A_111 = tpu.memref_slice %arg16[%dma_start3A_110] : memref<10368xi32, #tpu.memory_space<vmem>> -> memref<256xi32, #tpu.memory_space<vmem>>
        tpu.enqueue_dma source(%dma_start3A_111 : memref<256xi32, #tpu.memory_space<vmem>>) target(%arg10 : memref<256xi32, #tpu.memory_space<hbm>>) target_semaphore(%run_scoped3A : memref<!tpu.dma_semaphore, #tpu.memory_space<semaphore_mem>>)
        %dma_wait3A = arith.constant 0 : i32
        %dma_wait3A_112 = tpu.memref_slice %arg16[%dma_wait3A] : memref<10368xi32, #tpu.memory_space<vmem>> -> memref<256xi32, #tpu.memory_space<vmem>>
        %dma_wait3A_113 = arith.constant 0 : i32
        %dma_wait3A_114 = tpu.memref_slice %arg16[%dma_wait3A_113] : memref<10368xi32, #tpu.memory_space<vmem>> -> memref<256xi32, #tpu.memory_space<vmem>>
        tpu.wait_dma2 semaphore(%run_scoped3A : memref<!tpu.dma_semaphore, #tpu.memory_space<semaphore_mem>>) src(%dma_wait3A_114 : memref<256xi32, #tpu.memory_space<vmem>>) dst(%arg10 : memref<256xi32, #tpu.memory_space<hbm>>)
        tpu.yield
      }) : () -> ()
    } else {
    }
    return
  }
}

module attributes {stable_mosaic.version = 14 : i64} {
  func.func @_tc_body(%arg0: memref<32x256x128xf32, #tpu.memory_space<vmem>>, %arg1: memref<32x256xf32, #tpu.memory_space<vmem>>, %arg2: memref<32x256x128xf32, #tpu.memory_space<vmem>>, %arg3: memref<256x1xi32, #tpu.memory_space<vmem>>, %arg4: memref<128x256xf32, #tpu.memory_space<vmem>>, %arg5: memref<1x128xf32, #tpu.memory_space<vmem>>, %arg6: memref<256x128xf32, #tpu.memory_space<vmem>>) attributes {dimension_semantics = [], scalar_prefetch = 0 : i64, scratch_operands = 0 : i64, tpu.core_type = #tpu.core_type<tc>} {
    %get3A = arith.constant 0 : index
    %get3A_0 = arith.constant 0 : index
    %get3A_1 = arith.constant 0 : index
    %get3A_2 = vector.load %arg0[%get3A, %get3A_0, %get3A_1] : memref<32x256x128xf32, #tpu.memory_space<vmem>>, vector<32x256x128xf32>
    %reduce_sum3A = arith.constant dense<0.000000e+00> : vector<256x128xf32>
    %reduce_sum3A_3 = vector.multi_reduction <add>, %get3A_2, %reduce_sum3A [0] : vector<32x256x128xf32> to vector<256x128xf32>
    %get3A_4 = arith.constant 0 : index
    %get3A_5 = arith.constant 0 : index
    %get3A_6 = vector.load %arg1[%get3A_4, %get3A_5] : memref<32x256xf32, #tpu.memory_space<vmem>>, vector<32x256xf32>
    %reduce_sum3A_7 = arith.constant dense<0.000000e+00> : vector<256xf32>
    %reduce_sum3A_8 = vector.multi_reduction <add>, %get3A_6, %reduce_sum3A_7 [0] : vector<32x256xf32> to vector<256xf32>
    %get3A_9 = arith.constant 0 : index
    %get3A_10 = arith.constant 0 : index
    %get3A_11 = arith.constant 0 : index
    %get3A_12 = vector.load %arg2[%get3A_9, %get3A_10, %get3A_11] : memref<32x256x128xf32, #tpu.memory_space<vmem>>, vector<32x256x128xf32>
    %reduce_max3A = arith.constant dense<0xFF800000> : vector<256x128xf32>
    %reduce_max3A_13 = vector.multi_reduction <maximumf>, %get3A_12, %reduce_max3A [0] : vector<32x256x128xf32> to vector<256x128xf32>
    %max3A = arith.constant 1.000000e+00 : f32
    %max3A_14 = vector.broadcast %max3A : f32 to vector<256xf32>
    %max3A_15 = arith.maximumf %reduce_sum3A_8, %max3A_14 : vector<256xf32>
    %broadcast_in_dim3A = vector.shape_cast %max3A_15 : vector<256xf32> to vector<256x1xf32>
    %div3A = vector.broadcast %broadcast_in_dim3A : vector<256x1xf32> to vector<256x128xf32>
    %div3A_16 = arith.divf %reduce_sum3A_3, %div3A : vector<256x128xf32>
    %get3A_17 = arith.constant 0 : index
    %get3A_18 = arith.constant 0 : index
    %get3A_19 = vector.load %arg3[%get3A_17, %get3A_18] : memref<256x1xi32, #tpu.memory_space<vmem>>, vector<256x1xi32>
    %iota3A = tpu.iota {dimensions = array<i32: 1>} : vector<256x256xi32>
    %eq3A = vector.broadcast %get3A_19 : vector<256x1xi32> to vector<256x256xi32>
    %eq3A_20 = arith.cmpi eq, %eq3A, %iota3A : vector<256x256xi32>
    %convert_element_type3A = arith.extui %eq3A_20 : vector<256x256xi1> to vector<256x256xi32>
    %convert_element_type3A_21 = arith.sitofp %convert_element_type3A : vector<256x256xi32> to vector<256x256xf32>
    %dot_general3A = arith.constant dense<0.000000e+00> : vector<256x128xf32>
    %dot_general3A_22 = tpu.matmul %convert_element_type3A_21, %div3A_16, %dot_general3A {dimension_numbers = #tpu.dot_dimension_numbers<[1], [0], [0], [1], [0, 0, 1, 1], [], []>, transpose_lhs_hint = false} : vector<256x256xf32>, vector<256x128xf32>, vector<256x128xf32> -> vector<256x128xf32>
    %get3A_23 = arith.constant 0 : index
    %get3A_24 = arith.constant 0 : index
    %get3A_25 = vector.load %arg4[%get3A_23, %get3A_24] : memref<128x256xf32, #tpu.memory_space<vmem>>, vector<128x128xf32>
    %get3A_26 = arith.constant 0 : index
    %get3A_27 = arith.constant 128 : index
    %get3A_28 = vector.load %arg4[%get3A_26, %get3A_27] : memref<128x256xf32, #tpu.memory_space<vmem>>, vector<128x128xf32>
    %dot_general3A_29 = arith.constant dense<0.000000e+00> : vector<256x128xf32>
    %dot_general3A_30 = tpu.matmul %dot_general3A_22, %get3A_25, %dot_general3A_29 {dimension_numbers = #tpu.dot_dimension_numbers<[1], [1], [0], [0], [0, 0, 1, 0], [], []>, transpose_lhs_hint = false} : vector<256x128xf32>, vector<128x128xf32>, vector<256x128xf32> -> vector<256x128xf32>
    %dot_general3A_31 = arith.constant dense<0.000000e+00> : vector<256x128xf32>
    %dot_general3A_32 = tpu.matmul %reduce_max3A_13, %get3A_28, %dot_general3A_31 {dimension_numbers = #tpu.dot_dimension_numbers<[1], [1], [0], [0], [0, 0, 1, 0], [], []>, transpose_lhs_hint = false} : vector<256x128xf32>, vector<128x128xf32>, vector<256x128xf32> -> vector<256x128xf32>
    %add3A = arith.addf %dot_general3A_30, %dot_general3A_32 : vector<256x128xf32>
    %get3A_33 = arith.constant 0 : index
    %get3A_34 = arith.constant 0 : index
    %get3A_35 = vector.load %arg5[%get3A_33, %get3A_34] : memref<1x128xf32, #tpu.memory_space<vmem>>, vector<1x128xf32>
    %add3A_36 = vector.broadcast %get3A_35 : vector<1x128xf32> to vector<256x128xf32>
    %add3A_37 = arith.addf %add3A, %add3A_36 : vector<256x128xf32>
    %swap3A = arith.constant 0 : index
    %swap3A_38 = arith.constant 0 : index
    %swap3A_39 = vector.load %arg6[%swap3A, %swap3A_38] : memref<256x128xf32, #tpu.memory_space<vmem>>, vector<256x128xf32>
    tpu.vector_store %arg6[%swap3A, %swap3A_38], %add3A_37 {strides = array<i32>} : memref<256x128xf32, #tpu.memory_space<vmem>>, vector<256x128xf32>,
    return
  }
}

</mosaic_0001>

<sc_bundles>
// kernel: kernel.4.cloned.1.call-start
scs
__scs_entry_jumppad:
0x0: {  	(pc) =	sbr.rel $0x88, $3  }
0x1: {  	(tag) =	ssettag $0x0;
	lr =	simm.s32 $0x1  }
0x2: {  	[smem:$0x3F9B] =	sst lr;
	_ =	strace $0xD0000000  }
0x3: {  	_ = 	snop  }
0x4: {  	_ = 	snop  }
0x5: {  	_ = 	snop  }
0x6: {  	_ = 	snop  }
0x7: {  	_ = 	snop  }
__scs_overlays_trampoline_lowered:
0x8: {  	[smem:$0x3FAA] =	sst s0  }
0x9: {  	[smem:$0x3FAB] =	sst s1  }
0xa: {  	[smem:$0x3FAC] =	sst s2  }
0xb: {  	[smem:$0x3FAD] =	sst s3  }
0xc: {  	[smem:$0x3FAE] =	sst s4  }
0xd: {  	[smem:$0x3FAF] =	sst s5  }
0xe: {  	[smem:$0x3FB0] =	sst s6  }
0xf: {  	[smem:$0x3FB1] =	sst s7  }
0x10: {  	[smem:$0x3FB2] =	sst s8  }
0x11: {  	[smem:$0x3FB3] =	sst s9;
	s0 =	simm.s32 @!p0 $0x0  }
0x12: {  	s1 =	sld [smem:$0x3F99];
	s0 =	simm.s32 @p0 $0x1  }
0x13: {  	[smem:$0x3FB4] =	sst s0;
	s0 =	simm.s32 @!p1 $0x0  }
0x14: {  	s2 =	sld [smem:$0x3F98];
	s0 =	simm.s32 @p1 $0x1  }
0x15: {  	[smem:$0x3FB5] =	sst s0;
	s0 =	simm.s32 @!p2 $0x0  }
0x16: {  	s3 =	sld [smem:$0x3FDB];
	s0 =	simm.s32 @p2 $0x1  }
0x17: {  	s4 =	simm.s32 $0x1BF5;
	[smem:$0x3FB7] =	sst s0  }
0x18: {  	s0 =	sld [smem:$0x3F9A];
	_ =	swait.ge [sflag:s4], $0x0  }
0x19: {  	s7 =	sld [smem:$0x3F9B]  }
0x1a: {  	s8 =	sadd.s32 $0xFFFFE003, lr  }
0x1b: {  	s9 =	sadd.s32 $0xFFFFFEF7, lr;
	s5 =	simm.s32 $0xFFFFFFFF;
	p2 =	slt.u32 s8, $0xFFFFF086  }
0x1c: {  	p1 =	slt.u32 s9, $0xF7A;
	s5 =	simm.s32 @!p2 $0x0  }
0x1d: {  	s5 =	simm.s32 @p1 $0x1;
	p0 =	seq.s32 s7, s2  }
0x1e: {  	s7 =	smul.u32 @!p0 $0xF7A, s2;
	p2 =	seq.s32 @!p0 s5, $0x0  }
0x1f: {  	s9 =	smul.u32 $0xF7A, s1;
	s8 =	simm.s32 @!p0 $0x1BF5;
	p2 =	por !p2, p0  }
0x20: {  	[sflag:s8] =	ssyncset.s32 @!p0 $0xFFFFF086;
	s6 =	sadd.s32 @!p0 s3, s7;
	s7 =	simm.s32 @!p0 $0x108  }
0x21: {  	s3 =	sadd.s32 s3, s9;
	s6 =	sadd.s32 @!p0 $0x88, s6;
	s7 =	simm.s32 @p2 $0x1082  }
0x22: {  	[simem:s7], [sflag:s8] =	dma.local @!p0 [hbm:s6], $0xF7A  }
0x23: {  	s9 =	sor.u32 $0xD0000000, s2;
	s6 =	simm.s32 $0x108;
	_ =	swait.ge @!p0 [sflag:s8], $0x0  }
0x24: {  	s3 =	sadd.s32 $0x88, s3;
	s6 =	simm.s32 @!p1 $0x1082;
	[sflag:s4] =	ssyncset.s32 $0xFFFFF086  }
0x25: {  	[simem:s6], [sflag:s4] =	dma.local [hbm:s3], $0xF7A  }
0x26: {  	[smem:$0x3F9B] =	sst s1;
	(tag) =	ssettag s2;
	_ =	strace s9  }
0x27: {  	s1 =	sld [smem:$0x3FAB]  }
0x28: {  	s2 =	sld [smem:$0x3FAC]  }
0x29: {  	s4 =	sld [smem:$0x3FAE]  }
0x2a: {  	p0 =	seq.s32 s5, $0x0;
	s5 =	sld [smem:$0x3FAF]  }
0x2b: {  	s6 =	sld [smem:$0x3FB0]  }
0x2c: {  	s7 =	sld [smem:$0x3FB1]  }
0x2d: {  	s3 =	simm.s32 $0x108;
	s8 =	sld [smem:$0x3FB2]  }
0x2e: {  	s3 =	simm.s32 @!p0 $0x1082;
	s9 =	sld [smem:$0x3FB3]  }
0x2f: {  	lr =	sadd.s32 s0, s3;
	s0 =	sld [smem:$0x3FAA]  }
0x30: {  	s3 =	sld [smem:$0x3FAD]  }
0x31: {  	[smem:$0x3FB6] =	sst s10  }
0x32: {  	s10 =	sld [smem:$0x3FB4];
	_ =	sdelay $0x3  }
0x33: {  	p0 =	seq.s32 s10, $0x1;
	s10 =	sld [smem:$0x3FB6];
	_ =	sdelay $0x3  }
0x34: {  	[smem:$0x3FB6] =	sst s10  }
0x35: {  	s10 =	sld [smem:$0x3FB5];
	_ =	sdelay $0x3  }
0x36: {  	p1 =	seq.s32 s10, $0x1;
	s10 =	sld [smem:$0x3FB6];
	_ =	sdelay $0x3  }
0x37: {  	[smem:$0x3FB6] =	sst s10  }
0x38: {  	s10 =	sld [smem:$0x3FB7]  }
0x39: {  	_ = 	snop;
	(pc) =	sbr.ind lr, $3  }
0x3a: {  	_ = 	snop  }
0x3b: {  	_ = 	snop  }
0x3c: {  	p2 =	seq.s32 s10, $0x1;
	s10 =	sld [smem:$0x3FB6]  }
0x3d: {  	_ =	shalt  }
0x3e: {  	_ =	shalt  }
0x3f: {  	_ =	shalt  }
0x40: {  	_ =	shalt  }
0x41: {  	_ =	shalt  }
0x42: {  	_ =	shalt  }
0x43: {  	_ =	shalt  }
0x44: {  	_ =	shalt  }
0x45: {  	_ =	shalt  }
0x46: {  	_ =	shalt  }
0x47: {  	_ =	shalt  }
0x48: {  	_ =	shalt  }
0x49: {  	_ =	shalt  }
0x4a: {  	_ =	shalt  }
0x4b: {  	_ =	shalt  }
0x4c: {  	_ =	shalt  }
0x4d: {  	_ =	shalt  }
0x4e: {  	_ =	shalt  }
0x4f: {  	_ =	shalt  }
0x50: {  	_ =	shalt  }
0x51: {  	_ =	shalt  }
0x52: {  	_ =	shalt  }
0x53: {  	_ =	shalt  }
0x54: {  	_ =	shalt  }
0x55: {  	_ =	shalt  }
0x56: {  	_ =	shalt  }
0x57: {  	_ =	shalt  }
0x58: {  	_ =	shalt  }
0x59: {  	_ =	shalt  }
0x5a: {  	_ =	shalt  }
0x5b: {  	_ =	shalt  }
0x5c: {  	_ =	shalt  }
0x5d: {  	_ =	shalt  }
0x5e: {  	_ =	shalt  }
0x5f: {  	_ =	shalt  }
0x60: {  	_ =	shalt  }
0x61: {  	_ =	shalt  }
0x62: {  	_ =	shalt  }
0x63: {  	_ =	shalt  }
0x64: {  	_ =	shalt  }
0x65: {  	_ =	shalt  }
0x66: {  	_ =	shalt  }
0x67: {  	_ =	shalt  }
0x68: {  	_ =	shalt  }
0x69: {  	_ =	shalt  }
0x6a: {  	_ =	shalt  }
0x6b: {  	_ =	shalt  }
0x6c: {  	_ =	shalt  }
0x6d: {  	_ =	shalt  }
0x6e: {  	_ =	shalt  }
0x6f: {  	_ =	shalt  }
0x70: {  	_ =	shalt  }
0x71: {  	_ =	shalt  }
0x72: {  	_ =	shalt  }
0x73: {  	_ =	shalt  }
0x74: {  	_ =	shalt  }
0x75: {  	_ =	shalt  }
0x76: {  	_ =	shalt  }
0x77: {  	_ =	shalt  }
0x78: {  	_ =	shalt  }
0x79: {  	_ =	shalt  }
0x7a: {  	_ =	shalt  }
0x7b: {  	_ =	shalt  }
0x7c: {  	_ =	shalt  }
0x7d: {  	_ =	shalt  }
0x7e: {  	_ =	shalt  }
0x7f: {  	_ =	shalt  }
0x80: {  	_ =	shalt  }
0x81: {  	_ =	shalt  }
0x82: {  	_ =	shalt  }
0x83: {  	_ =	shalt  }
0x84: {  	_ =	shalt  }
0x85: {  	_ =	shalt  }
0x86: {  	_ =	shalt  }
0x87: {  	_ =	shalt  }
.Lfunc_end0:
.L_simem_size_0:
called_computation_lowered:
.L_overlay_start_0:
0x88: {  	s2 =	sld [smem:$0x3FD9]  }
0x89: {  	s3 =	sld [smem:$0x3FFE];
	_ =	sdelay $0x1  }
0x8a: {  	s1 =	srdreg.scid  }
0x8b: {  	s0 =	sand.u32 $0x1, s1  }
0x8c: {  	s17 =	sshll.u32 s0, $0xA;
	s2 =	sadd.s32 s3, s2  }
0x8d: {  	s2 =	sadd.s32 s2, s17  }
0x8e: {  	[smem:$0x3FC2] =	sst s2  }
0x8f: {  	_ = 	snop  }
0x90: {  	s2 =	sld [smem:$0x3FC9]  }
0x91: {  	s18 =	sld [smem:$0x3FC7]  }
0x92: {  	s4 =	sld [smem:$0x3FC6]  }
0x93: {  	s5 =	sld [smem:$0x3FD0];
	(tm) =	ssettm $0x1  }
0x94: {  	s6 =	sld [smem:$0x3FFB];
	_ =	sdelay $0x3  }
0x95: {  	_ =	strace s6  }
0x96: {  	s6 =	sld [smem:$0x3FFC];
	_ =	sdelay $0x3  }
0x97: {  	_ =	strace s6  }
0x98: {  	s6 =	sld [smem:$0x3FFD];
	_ =	sdelay $0x3  }
0x99: {  	_ =	strace s6  }
0x9a: {  	_ =	strace $0x8FFFFFFF  }
0x9b: {  	s19 =	sld [smem:$0x3FDB];
	_ =	sdelay $0x1  }
0x9c: {  	s7 =	simm.s32 $_scs_section_size  }
0x9d: {  	s8 =	simm.s32 $_size__tile_overlayer_lowered;
	s9 =	simm.s32 $_tile_overlayer_lowered  }
0x9e: {  	s22 =	simm.s32 $0x1BFF;
	s21 =	sshll.u32 s9, $0x1;
	s6 =	sadd.s32 s7, s19  }
0x9f: {  	s10 =	simm.s32 $0x0;
	s20 =	sshll.u32 s8, $0x1;
	s8 =	sadd.s32 s21, s6  }
0xa0: {  	[timem:s10], [sflag:s22] =	dma.local [hbm:s8], s20  }
0xa1: {  	_ =	swait.ge [sflag:s22], s20  }
0xa2: {  	s7 =	ssub.s32 $0x0, s20;
	[sflag:s22] =	ssyncset.done $0x0  }
0xa3: {  	[sflag:s22] =	ssyncadd.s32 s7;
	_ =	sdelay $0x1  }
0xa4: {  	s23 =	simm.s32 $0x1B8B  }
0xa5: {  	_ =	swait.ge [sflag:s23], $0x1  }
0xa6: {  	[sflag:s23] =	ssyncset.done $0x0  }
0xa7: {  	s25 =	simm.s32 $0x1B8E;
	s24 =	sld [smem:$0x3FFE];
	[sflag:s23] =	ssyncadd.s32 $0xFFFFFFFF  }
0xa8: {  	s26 =	simm.s32 $execute0_lowered;
	[smem:$0x3FD2] =	sst s25  }
0xa9: {  	s8 =	sshll.u32 s26, $0x1;
	_ =	strace $0x80000046;
	[dreg:$0x1] =	wrdreg $0xFFFFFFFF  }
0xaa: {  	s28 =	simm.s32 $_size_execute0_lowered;
	s6 =	sadd.s32 s6, s8;
	[dreg:$0x0] =	wrdreg $0x0  }
0xab: {  	s8 =	sshll.u32 s28, $0x1;
	[dreg:$0x2] =	wrdreg s6  }
0xac: {  	[dreg:$0x3] =	wrdreg s8  }
0xad: {  	[dreg:$0x4] =	wrdreg $0xC0  }
0xae: {  	_ =	task [dreg:s10], $0x5FFFF  }
0xaf: {  	[dreg:$0x1] =	wrdreg $0xFFFFFFFF  }
0xb0: {  	[dreg:$0x0] =	wrdreg $0x60  }
0xb1: {  	[dreg:$0x2] =	wrdreg s2  }
0xb2: {  	[dreg:$0x3] =	wrdreg s24  }
0xb3: {  	[dreg:$0x4] =	wrdreg s18  }
0xb4: {  	[dreg:$0x5] =	wrdreg s4  }
0xb5: {  	[dreg:$0x6] =	wrdreg s5  }
0xb6: {  	[dreg:$0x7] =	wrdreg $0x9  }
0xb7: {  	_ =	task.clear_ibuf [dreg:s10], $0x8FFFF;
	_ =	strace $0x90000046  }
0xb8: {  	s29 =	simm.s32 $0x9;
	_ =	strace $0x80000048  }
0xb9: {  	_ =	swait.ge [sflag:s29], $0x1  }
0xba: {  	[sflag:s29] =	ssyncadd.s32 $0xFFFFFFFF  }
0xbb: {  	_ =	strace $0x90000048  }
0xbc: {  	_ =	sfence  }
0xbd: {  	s30 =	sld [smem:$0x0];
	_ =	sdelay $0x2  }
0xbe: {  	s31 =	sshll.u32 s1, $0xD;
	s1 =	sshrl.u32 s1, $0x2  }
0xbf: {  	s3 =	sand.u32 $0x4000, s31;
	s1 =	sadd.s32 s1, s30  }
0xc0: {  	s0 =	sor.u32 s3, s0;
	s1 =	sshll.u32 s1, $0x11  }
0xc1: {  	s0 =	sor.u32 s1, s0  }
0xc2: {  	s0 =	sadd.s32 $0x8F2B, s0  }
0xc3: {  	[sflag:s0] =	ssyncadd.remote.s32 $0x1  }
0xc4: {  	_ =	sfence.sel $0xFFFF  }
0xc5: {  	[dreg:$0x0] =	wrdreg $0xFFFFFFFF;
	(pc) =	sbr.abs _section_cstart, $3  }
0xc6: {  	[dreg:$0x1] =	wrdreg $0xFFFFFFFF  }
0xc7: {  	_ =	task.clear_ibuf [dreg:s10], $0x2FFFF;
	_ =	strace $0x9FFFFFFF  }
0xc8: {  	(tm) =	ssettm $0x7FFFFFFF  }
0xc9: {  	_ =	shalt  }
tec
execute0_lowered:
.L_overlay_start_1:
0x0: {  	(tag) =	ssettag $0x1  }
0x1: {  	s1 =	rddreg [dreg:$0x0]  }
0x2: {  	s0 =	rddreg [dreg:$0x1]  }
0x3: {  	s4 =	rddreg [dreg:$0x3]  }
0x4: {  	s2 =	rddreg [dreg:$0x4]  }
0x5: {  	s3 =	srdreg.scid;
	s10 =	stileid.u32  }
0x6: {  	s5 =	simm.s32 $0x0;
	s15 =	simm.s32 $0x2;
	s16 =	simm.s32 $0x2880  }
0x7: {  	s17 =	simm.s32 $0x3080;
	s18 =	simm.s32 $0x3880;
	s19 =	simm.s32 $0x6100  }
0x8: {  	s20 =	simm.s32 $0x1;
	s21 =	simm.s32 $0x40;
	s22 =	simm.s32 $0x10A80  }
0x9: {  	s23 =	simm.s32 $0x1AA80;
	s30 =	simm.s32 $0x0;
	s31 =	simm.s32 $0x0  }
0xa: {  	s3 =	sand.u32 $0x1, s3;
	s6 =	sshll.u32 s10, $0x1;
	[smem:$0x7FF] =	sst s5  }
0xb: {  	s7 =	sadd.s32 $0xA00, s0;
	s25 =	sshll.u32 s10, $0x6;
	s8 =	sor.u32 s3, s6  }
0xc: {  	_ =	strace $0x80000047;
	s6 =	sadd.s32 $0xA800, s0;
	s3 =	ssub.s32 $0x2, s3  }
0xd: {  	s26 =	sand.u32 $0x300, s25;
	s9 =	sshll.u32 s8, $0xC;
	s24 =	sshrl.u32 s3, $0x1  }
0xe: {  	s28 =	sshll.u32 s8, $0x4;
	s2 =	sadd.s32 s2, s26;
	s10 =	smul.u32 $0x140, s8  }
0xf: {  	p0 =	sne.s32 s8, $0x0;
	s13 =	sadd.s32 s9, s0;
	s0 =	sadd.s32 $0x14600, s0  }
0x10: {  	s9 =	smul.u32 $0x2710, s8;
	s12 =	sand.u32 $0x70, s28;
	[dreg:$0x6] =	wrdreg s0  }
0x11: {  	v0 =	vimm.s32 $0xFFFFFFFF;
	v1 =	vimm.s32 $0x0;
	s0 =	ssub.s32 s3, s24;
	s29 =	sadd.s32 $0x14800, s13;
	s12 =	sadd.s32 s12, s2  }
0x12: {  	v2 =	vimm.f32 $0.0e+00;
	v3 =	vimm.f32 $-Inf;
	v4 =	vlaneseq.u32;
	s13 =	sadd.s32 $0x34800, s13;
	[dreg:$0x7] =	wrdreg s29;
	s14 =	smax.u32 s0, $0x1  }
.LBB2_1:
0x13: {  	s2 =	simm.s32 $0x140;
	s0 =	simm.s32 $0x0  }
.LBB2_2:
0x14: {  	p1 =	sne.s32 s2, $0x9B00;
	[tilespmem:s0+$0x40] =	vst v0;
	s3 =	smov.u32 s2;
	s2 =	sadd.s32 $0x140, s2  }
.Ltmp0:
0x15: {  	[tilespmem:s0+$0x30] =	vst v0;
	(pc) =	sbr.rel @p1 .LBB2_2-.Ltmp0, $4  }
0x16: {  	[tilespmem:s0+$0x20] =	vst v0  }
0x17: {  	[tilespmem:s0+$0x0] =	vst v0  }
0x18: {  	[tilespmem:s0+$0x10] =	vst v0  }
0x19: {  	s0 =	sshra.s32 s3, $0x2  }
0x1a: {  	[tilespmem:s0+$0x40] =	vst v0  }
0x1b: {  	[tilespmem:s0+$0x30] =	vst v0  }
0x1c: {  	[tilespmem:s0+$0x20] =	vst v0  }
0x1d: {  	[tilespmem:s0+$0x0] =	vst v0  }
0x1e: {  	[tilespmem:s0+$0x10] =	vst v0;
	s0 =	simm.s32 $0x0;
	s2 =	simm.s32 $0x200  }
.LBB2_4:
0x1f: {  	p1 =	sne.s32 s2, $0xA000;
	[tilespmem:s0+$0x6170] =	vst v0  }
0x20: {  	[tilespmem:s0+$0x3880] =	vst v1  }
0x21: {  	[tilespmem:s0+$0x6100] =	vst v0  }
0x22: {  	[tilespmem:s0+$0x3890] =	vst v1  }
0x23: {  	[tilespmem:s0+$0x6110] =	vst v0  }
0x24: {  	[tilespmem:s0+$0x38A0] =	vst v1  }
0x25: {  	[tilespmem:s0+$0x6120] =	vst v0  }
0x26: {  	[tilespmem:s0+$0x38B0] =	vst v1  }
0x27: {  	[tilespmem:s0+$0x6130] =	vst v0  }
0x28: {  	[tilespmem:s0+$0x38C0] =	vst v1  }
0x29: {  	[tilespmem:s0+$0x6140] =	vst v0  }
.Ltmp1:
0x2a: {  	[tilespmem:s0+$0x38D0] =	vst v1;
	(pc) =	sbr.rel @p1 .LBB2_4-.Ltmp1, $4  }
0x2b: {  	[tilespmem:s0+$0x6150] =	vst v0  }
0x2c: {  	[tilespmem:s0+$0x38E0] =	vst v1  }
0x2d: {  	[tilespmem:s0+$0x6160] =	vst v0  }
0x2e: {  	[tilespmem:s0+$0x38F0] =	vst v1;
	s0 =	sshra.s32 s2, $0x2;
	s2 =	sadd.s32 $0x200, s2  }
0x2f: {  	[tilespmem:s0+$0x6170] =	vst v0  }
0x30: {  	[tilespmem:s0+$0x3880] =	vst v1  }
0x31: {  	[tilespmem:s0+$0x6100] =	vst v0  }
0x32: {  	[tilespmem:s0+$0x3890] =	vst v1  }
0x33: {  	[tilespmem:s0+$0x6110] =	vst v0  }
0x34: {  	[tilespmem:s0+$0x38A0] =	vst v1  }
0x35: {  	[tilespmem:s0+$0x6120] =	vst v0  }
0x36: {  	[tilespmem:s0+$0x38B0] =	vst v1  }
0x37: {  	[tilespmem:s0+$0x6130] =	vst v0  }
0x38: {  	[tilespmem:s0+$0x38C0] =	vst v1  }
0x39: {  	[tilespmem:s0+$0x6140] =	vst v0  }
0x3a: {  	[tilespmem:s0+$0x38D0] =	vst v1  }
0x3b: {  	[tilespmem:s0+$0x6150] =	vst v0  }
0x3c: {  	[tilespmem:s0+$0x38E0] =	vst v1  }
0x3d: {  	[tilespmem:s0+$0x6160] =	vst v0  }
0x3e: {  	[tilespmem:s0+$0x38F0] =	vst v1;
	s0 =	simm.s32 $0x0;
	s2 =	simm.s32 $0x200  }
.LBB2_6:
0x3f: {  	p1 =	sne.s32 s2, $0x1FE00;
	[tilespmem:s0+$0x12AF0] =	vst v3  }
0x40: {  	[tilespmem:s0+$0x8980] =	vst v2  }
0x41: {  	[tilespmem:s0+$0x12A80] =	vst v3  }
0x42: {  	[tilespmem:s0+$0x8990] =	vst v2  }
0x43: {  	[tilespmem:s0+$0x12A90] =	vst v3  }
0x44: {  	[tilespmem:s0+$0x89A0] =	vst v2  }
0x45: {  	[tilespmem:s0+$0x12AA0] =	vst v3  }
0x46: {  	[tilespmem:s0+$0x89B0] =	vst v2  }
0x47: {  	[tilespmem:s0+$0x12AB0] =	vst v3  }
0x48: {  	[tilespmem:s0+$0x89C0] =	vst v2  }
0x49: {  	[tilespmem:s0+$0x12AC0] =	vst v3  }
.Ltmp2:
0x4a: {  	[tilespmem:s0+$0x89D0] =	vst v2;
	(pc) =	sbr.rel @p1 .LBB2_6-.Ltmp2, $4  }
0x4b: {  	[tilespmem:s0+$0x12AD0] =	vst v3  }
0x4c: {  	[tilespmem:s0+$0x89E0] =	vst v2  }
0x4d: {  	[tilespmem:s0+$0x12AE0] =	vst v3  }
0x4e: {  	[tilespmem:s0+$0x89F0] =	vst v2;
	s0 =	sshra.s32 s2, $0x2;
	s2 =	sadd.s32 $0x200, s2  }
0x4f: {  	[tilespmem:s0+$0x12AF0] =	vst v3  }
0x50: {  	[tilespmem:s0+$0x8980] =	vst v2  }
0x51: {  	[tilespmem:s0+$0x12A80] =	vst v3  }
0x52: {  	[tilespmem:s0+$0x8990] =	vst v2  }
0x53: {  	[tilespmem:s0+$0x12A90] =	vst v3  }
0x54: {  	[tilespmem:s0+$0x89A0] =	vst v2  }
0x55: {  	[tilespmem:s0+$0x12AA0] =	vst v3  }
0x56: {  	[tilespmem:s0+$0x89B0] =	vst v2  }
0x57: {  	[tilespmem:s0+$0x12AB0] =	vst v3  }
0x58: {  	[tilespmem:s0+$0x89C0] =	vst v2  }
0x59: {  	[tilespmem:s0+$0x12AC0] =	vst v3  }
0x5a: {  	[tilespmem:s0+$0x89D0] =	vst v2  }
0x5b: {  	[tilespmem:s0+$0x12AD0] =	vst v3  }
0x5c: {  	[tilespmem:s0+$0x89E0] =	vst v2  }
0x5d: {  	[tilespmem:s0+$0x12AE0] =	vst v3  }
0x5e: {  	[tilespmem:s0+$0x89F0] =	vst v2  }
0x5f: {  	[tilespmem:$0x10980] =	vst v2  }
0x60: {  	[tilespmem:$0x10990] =	vst v2  }
0x61: {  	[tilespmem:$0x109A0] =	vst v2  }
0x62: {  	[tilespmem:$0x109B0] =	vst v2  }
0x63: {  	[tilespmem:$0x109C0] =	vst v2  }
0x64: {  	[tilespmem:$0x109D0] =	vst v2  }
0x65: {  	[tilespmem:$0x109E0] =	vst v2  }
0x66: {  	[tilespmem:$0x109F0] =	vst v2  }
0x67: {  	[tilespmem:$0x10A00] =	vst v2  }
0x68: {  	[tilespmem:$0x10A10] =	vst v2  }
0x69: {  	[tilespmem:$0x10A20] =	vst v2  }
0x6a: {  	[tilespmem:$0x10A30] =	vst v2  }
0x6b: {  	[tilespmem:$0x10A40] =	vst v2  }
0x6c: {  	[tilespmem:$0x10A50] =	vst v2  }
0x6d: {  	[tilespmem:$0x10A60] =	vst v2  }
0x6e: {  	s0 =	simm.s32 $0x0;
	s2 =	simm.s32 $0x2780;
	s3 =	rddreg [dreg:$0x2];
	[tilespmem:$0x10A70] =	vst v2  }
0x6f: {  	[tilespmem:s2], [sflag:$0x2] =	stream.linear.gather [hbm4b:s3+s0], $0x100, $0x38;
	[tilespmem:$0x1AB00] =	vst v63  }
0x70: {  	_ =	swait.ge [sflag:s15], $0x100  }
0x71: {  	[sflag:s15] =	ssyncset.done $0x0  }
0x72: {  	[sflag:s15] =	ssyncadd.s32 $0xFFFFFF00  }
0x73: {  	s8 =	simm.s32 $0x0;
	s3 =	simm.s32 $0x10;
	v5 =	vld [tilespmem:s2+$0x0]  }
.LBB2_8:
0x74: {  	p1 =	sne.s32 s3, $0xF0;
	_ =	sdelay $0x3  }
.Ltmp3:
0x75: {  	(pc) =	sbr.rel @p1 .LBB2_8-.Ltmp3, $4  }
0x76: {  	_ = 	snop  }
0x77: {  	v6 =	vor.u32 s8, v4;
	s8 =	smov.u32 s3  }
0x78: {  	s2 =	sadd.s32 $0x10, s2;
	[tilespmem:v5+s0+$0x0] =	vst.idx.msk $0xffff, v6  }
0x79: {  	s3 =	sadd.s32 $0x10, s3;
	v5 =	vld [tilespmem:s2+$0x0]  }
0x7a: {  	_ =	sdelay $0x6  }
0x7b: {  	v6 =	vor.u32 s8, v4  }
0x7c: {  	s2 =	simm.s32 $0x0;
	[tilespmem:v5+s0+$0x0] =	vst.idx.msk $0xffff, v6  }
.LBB2_10:
0x7d: {  	s3 =	smul.u32 $0x7D0, s2;
	_ =	sdelay $0x1  }
0x7e: {  	s3 =	sadd.s32 s9, s3  }
0x7f: {  	s3 =	sshrl.u32 s3, $0x3  }
0x80: {  	s24 =	simm.s32 $0x0;
	s8 =	sadd.s32 s7, s3  }
0x81: {  	[tilespmem:s16], [sflag:$0x2] =	stream.linear.gather [hbm4b:s8+s24], $0x7D0, $0x38;
	[tilespmem:$0x1AB00] =	vst v63  }
0x82: {  	_ =	swait.ge [sflag:s15], $0x7D0  }
0x83: {  	[sflag:s15] =	ssyncset.done $0x0  }
0x84: {  	s3 =	sadd.s32 s6, s3;
	[sflag:s15] =	ssyncadd.s32 $0xFFFFF830  }
0x85: {  	[tilespmem:s17], [sflag:$0x2] =	stream.linear.gather [hbm4b:s3+s24], $0x7D0, $0x38;
	[tilespmem:$0x1AB00] =	vst v63  }
0x86: {  	_ =	swait.ge [sflag:s15], $0x7D0  }
0x87: {  	[sflag:s15] =	ssyncset.done $0x0  }
0x88: {  	s29 =	simm.s32 $0x0;
	[sflag:s15] =	ssyncadd.s32 $0xFFFFF830  }
0x89: {  	v5 =	vld [tilespmem:s29+$0x2880];
	_ =	sdelay $0x7  }
0x8a: {  	v5 =	vld.idx.msk [tilespmem:v5+s5+$0x0], $0xffff;
	_ =	sdelay $0x4  }
0x8b: {  	vm0 =	vgt.s32 v5, $0xFFFFFFFF  }
0x8c: {  	v6 =	vsel vm0, $0x1, v1  }
0x8d: {  	(xrf0) =	vadd.scan.msk.s32 $0xffff, v6;
	_ =	sdelay $0x2  }
0x8e: {  	v6 =	vmov s0  }
0x8f: {  	v6 =	vadd.s32 $0xFFFFFFFF, v6  }
0x90: {  	v6 =	vbroadcast v6, $0x0  }
0x91: {  	v7, _, _ =	vpop (xrf0)  }
0x92: {  	v8 =	vld [tilespmem:s29+$0x3080];
	v6 =	vadd.s32 v7, v6;
	v7 =	vxor.u32 $0x80000000, v7  }
0x93: {  	(xrf0) =	vmax.scan.msk.u32 $0xffff, v7;
	_ =	sdelay $0x3  }
0x94: {  	[tilespmem:v6+s18+$0x0] =	vst.idx.msk vm0, v8  }
0x95: {  	s8 =	simm.s32 $0x80;
	s3 =	simm.s32 $0x10;
	[tilespmem:v6+s19+$0x0] =	vst.idx.msk vm0, v5  }
.LBB2_11:
0x96: {  	p1 =	sne.s32 s8, $0x1F00;
	v5 =	vld [tilespmem:s3+$0x2880];
	v6, _, _ =	vpop (xrf0)  }
0x97: {  	(v2sf) =	vpush v6, $0xF;
	_ =	sdelay $0x6  }
0x98: {  	v5 =	vld.idx.msk [tilespmem:v5+s5+$0x0], $0xffff;
	_ =	sdelay $0x5  }
0x99: {  	vm0 =	vgt.s32 v5, $0xFFFFFFFF  }
0x9a: {  	v6 =	vsel vm0, $0x1, v1  }
0x9b: {  	(xrf0) =	vadd.scan.msk.s32 $0xffff, v6;
	s24 =	spop (v2sf)  }
0x9c: {  	s0 =	sadd.s32 s24, s0  }
0x9d: {  	s0 =	sadd.s32 $0x80000000, s0  }
0x9e: {  	v6 =	vmov s0  }
0x9f: {  	v6 =	vadd.s32 $0xFFFFFFFF, v6  }
0xa0: {  	v6 =	vbroadcast v6, $0x0  }
0xa1: {  	v7, _, _ =	vpop (xrf0)  }
0xa2: {  	v6 =	vadd.s32 v7, v6;
	v8 =	vld [tilespmem:s3+$0x3080];
	v7 =	vxor.u32 $0x80000000, v7  }
0xa3: {  	(xrf0) =	vmax.scan.msk.u32 $0xffff, v7  }
.Ltmp4:
0xa4: {  	(pc) =	sbr.rel @p1 .LBB2_11-.Ltmp4, $3  }
0xa5: {  	_ =	sdelay $0x1  }
0xa6: {  	[tilespmem:v6+s18+$0x0] =	vst.idx.msk vm0, v8  }
0xa7: {  	s3 =	sshra.s32 s8, $0x2;
	s8 =	sadd.s32 $0x40, s8;
	[tilespmem:v6+s19+$0x0] =	vst.idx.msk vm0, v5  }
0xa8: {  	v5 =	vld [tilespmem:s3+$0x2880];
	_ =	sdelay $0x7  }
0xa9: {  	v5 =	vld.idx.msk [tilespmem:v5+s5+$0x0], $0xffff;
	_ =	sdelay $0x4  }
0xaa: {  	vm0 =	vgt.s32 v5, $0xFFFFFFFF  }
0xab: {  	v6 =	vsel vm0, $0x1, v1  }
0xac: {  	(xrf0) =	vadd.scan.msk.s32 $0xffff, v6;
	_ =	sdelay $0x2  }
0xad: {  	v6, _, _ =	vpop (xrf0)  }
0xae: {  	(v2sf) =	vpush v6, $0xF;
	_ =	sdelay $0x1  }
0xaf: {  	v6, _, _ =	vpop (xrf0)  }
0xb0: {  	v7 =	vxor.u32 $0x80000000, v6  }
0xb1: {  	(xrf0) =	vmax.scan.msk.u32 $0xffff, v7;
	_ =	sdelay $0x5  }
0xb2: {  	v7, _, _ =	vpop (xrf0)  }
0xb3: {  	(v2sf) =	vpush v7, $0xF;
	_ =	sdelay $0x3  }
0xb4: {  	s8 =	spop (v2sf)  }
0xb5: {  	s0 =	sadd.s32 s8, s0  }
0xb6: {  	s0 =	sadd.s32 $0x80000000, s0  }
0xb7: {  	v7 =	vmov s0  }
0xb8: {  	v7 =	vadd.s32 $0xFFFFFFFF, v7  }
0xb9: {  	v7 =	vbroadcast v7, $0x0;
	_ =	sdelay $0x1  }
0xba: {  	s2 =	sadd.s32 $0x1, s2;
	v6 =	vadd.s32 v6, v7;
	v7 =	vld [tilespmem:s3+$0x3080]  }
0xbb: {  	p1 =	sne.s32 s2, $0x5  }
.Ltmp5:
0xbc: {  	_ = 	snop;
	(pc) =	sbr.rel @p1 .LBB2_10-.Ltmp5, $4  }
0xbd: {  	_ = 	snop  }
0xbe: {  	s29 =	spop (v2sf)  }
0xbf: {  	[tilespmem:v6+s18+$0x0] =	vst.idx.msk vm0, v7;
	s0 =	sadd.s32 s29, s0  }
0xc0: {  	[tilespmem:v6+s19+$0x0] =	vst.idx.msk vm0, v5;
	s0 =	sadd.s32 $0x80000000, s0  }
0xc1: {  	s0 =	sadd.s32 $0x3F, s0  }
0xc2: {  	s2 =	sand.u32 $0x3F, s0  }
0xc3: {  	s3 =	sshra.s32 s0, $0x1F;
	p1 =	slt.s32 s0, $0x1;
	p2 =	sne.s32 s2, $0x0  }
0xc4: {  	s29 =	sshrl.u32 s3, $0x1A;
	p1 =	por !p1, !p2  }
0xc5: {  	s2 =	simm.s32 $0x1;
	s0 =	sadd.s32 s29, s0;
	p1 =	por !p1, !p1  }
0xc6: {  	s0 =	sshra.s32 s0, $0x6;
	s2 =	simm.s32 @!p1 $0x0  }
0xc7: {  	s0 =	ssub.s32 s0, s2  }
0xc8: {  	p1 =	slt.s32 s0, $0x1  }
.Ltmp6:
0xc9: {  	_ = 	snop;
	(pc) =	sbr.rel @p1 .LBB2_17-.Ltmp6, $2  }
0xca: {  	_ =	sdelay $0x2  }
0xcb: {  	s3 =	simm.s32 $0x6100;
	s2 =	simm.s32 $0x0  }
.LBB2_14:
0xcc: {  	s8 =	sshll.u32 s2, $0x6  }
0xcd: {  	v5 =	vmov s3;
	s8 =	sadd.s32 $0x3880, s8  }
0xce: {  	[tilespmem:s22], [sflag:$0x1] =	stream.indirect.gather [hbm4b:s1+s21], $0x80, s8, s21, $0xb8;
	[tilespmem:$0x1AB00] =	vst v63  }
0xcf: {  	_ =	swait.ge [sflag:s20], $0x2000  }
0xd0: {  	[sflag:s20] =	ssyncset.done $0x0  }
0xd1: {  	s28 =	simm.s32 $0x0;
	[sflag:s20] =	ssyncadd.s32 $0xFFFFE000  }
0xd2: {  	v6 =	vld.idx.msk [tilespmem:v5+s28+$0x0 ss:$0x1], $0xffff;
	_ =	sdelay $0x4  }
0xd3: {  	(v2sf) =	vpush v6, $0x0;
	_ =	sdelay $0xe  }
0xd4: {  	s29 =	spop (v2sf)  }
0xd5: {  	p1 =	slt.s32 s29, $0x0  }
0xd6: {  	v6 =	vbroadcast @!p1 v6, $0x0;
	_ =	sdelay $0x4  }
0xd7: {  	v7 =	vimm.f32 @!p1 $1.000000000e+00;
	s8 =	simm.s32 @!p1 $0x10980  }
0xd8: {  	s24 =	simm.s32 $0x10AC0;
	v9 =	vlaneseq.u32 @!p1;
	v8 =	vshll.u32 @!p1 v6, $0x7;
	[tilespmem:v6+s8+$0x0] =	vst.idx.add.f32.msk @!p1 $0x1, v7  }
0xd9: {  	v6 =	vor.u32 @!p1 v9, v8;
	v7 =	vld @!p1 [tilespmem:s24+$0xFFFFFFC0];
	_ =	sdelay $0x3  }
0xda: {  	s8 =	simm.s32 @!p1 $0x8980  }
0xdb: {  	v10 =	vor.u32 @!p1 $0x10, v9;
	[tilespmem:v6+s8+$0x0] =	vst.idx.add.f32.msk @!p1 $0xffff, v7  }
0xdc: {  	v6 =	vor.u32 @!p1 v10, v8;
	v7 =	vld @!p1 [tilespmem:s24+$0xFFFFFFD0];
	_ =	sdelay $0x4  }
0xdd: {  	v10 =	vor.u32 @!p1 $0x20, v9;
	[tilespmem:v6+s8+$0x0] =	vst.idx.add.f32.msk @!p1 $0xffff, v7  }
0xde: {  	v6 =	vor.u32 @!p1 v10, v8;
	v7 =	vld @!p1 [tilespmem:s24+$0xFFFFFFE0];
	_ =	sdelay $0x4  }
0xdf: {  	v10 =	vor.u32 @!p1 $0x30, v9;
	[tilespmem:v6+s8+$0x0] =	vst.idx.add.f32.msk @!p1 $0xffff, v7  }
0xe0: {  	v6 =	vor.u32 @!p1 v10, v8;
	v7 =	vld @!p1 [tilespmem:s24+$0xFFFFFFF0];
	_ =	sdelay $0x4  }
0xe1: {  	v10 =	vor.u32 @!p1 $0x40, v9;
	[tilespmem:v6+s8+$0x0] =	vst.idx.add.f32.msk @!p1 $0xffff, v7  }
0xe2: {  	v6 =	vor.u32 @!p1 v10, v8;
	v7 =	vld @!p1 [tilespmem:s24+$0x0];
	_ =	sdelay $0x4  }
0xe3: {  	v10 =	vor.u32 @!p1 $0x50, v9;
	[tilespmem:v6+s8+$0x0] =	vst.idx.add.f32.msk @!p1 $0xffff, v7  }
0xe4: {  	v6 =	vor.u32 @!p1 v10, v8;
	v7 =	vld @!p1 [tilespmem:s24+$0x10];
	_ =	sdelay $0x4  }
0xe5: {  	v10 =	vor.u32 @!p1 $0x60, v9;
	[tilespmem:v6+s8+$0x0] =	vst.idx.add.f32.msk @!p1 $0xffff, v7  }
0xe6: {  	v6 =	vor.u32 @!p1 v10, v8;
	v7 =	vld @!p1 [tilespmem:s24+$0x20];
	_ =	sdelay $0x4  }
0xe7: {  	v9 =	vor.u32 @!p1 $0x70, v9;
	[tilespmem:v6+s8+$0x0] =	vst.idx.add.f32.msk @!p1 $0xffff, v7  }
0xe8: {  	s26 =	simm.s32 $0x4;
	s25 =	simm.s32 $0x8;
	v6 =	vor.u32 @!p1 v9, v8;
	v7 =	vld @!p1 [tilespmem:s24+$0x30]  }
.LBB2_15:
0xe9: {  	_ =	sdelay $0x2  }
0xea: {  	s28 =	sshra.s32 s26, $0x2  }
0xeb: {  	s24 =	sadd.s32 $0x80, s24;
	s26 =	smov.u32 s25;
	s25 =	sadd.s32 $0x4, s25;
	[tilespmem:v6+s8+$0x0] =	vst.idx.add.f32.msk @!p1 $0xffff, v7  }
0xec: {  	p2 =	sne.s32 s25, $0x100;
	v6 =	vld.idx.msk [tilespmem:v5+s28+$0x0 ss:$0x1], $0xffff;
	_ =	sdelay $0x5  }
0xed: {  	(v2sf) =	vpush v6, $0x0;
	_ =	sdelay $0xe  }
0xee: {  	s8 =	spop (v2sf)  }
0xef: {  	p1 =	slt.s32 s8, $0x0  }
0xf0: {  	v6 =	vbroadcast @!p1 v6, $0x0;
	_ =	sdelay $0x1  }
0xf1: {  	v8 =	vlaneseq.u32 @!p1;
	v7 =	vshll.u32 @!p1 v6, $0x7  }
0xf2: {  	v10 =	vor.u32 @!p1 $0x10, v8;
	v11 =	vor.u32 @!p1 $0x20, v8;
	v9 =	vor.u32 @!p1 v8, v7  }
0xf3: {  	v12 =	vor.u32 @!p1 $0x30, v8;
	v10 =	vor.u32 @!p1 v10, v7;
	v11 =	vor.u32 @!p1 v11, v7  }
0xf4: {  	v13 =	vimm.f32 @!p1 $1.000000000e+00;
	s8 =	simm.s32 @!p1 $0x10980;
	v14 =	vor.u32 @!p1 $0x40, v8;
	v12 =	vor.u32 @!p1 v12, v7  }
0xf5: {  	[tilespmem:v6+s8+$0x0] =	vst.idx.add.f32.msk @!p1 $0x1, v13;
	v13 =	vor.u32 @!p1 v14, v7;
	v6 =	vor.u32 @!p1 $0x50, v8;
	v14 =	vor.u32 @!p1 $0x60, v8  }
0xf6: {  	v15 =	vld @!p1 [tilespmem:s24+$0xFFFFFFC0];
	v16 =	vor.u32 @!p1 v6, v7;
	v14 =	vor.u32 @!p1 v14, v7;
	v6 =	vor.u32 @!p1 $0x70, v8  }
0xf7: {  	v6 =	vor.u32 @!p1 v6, v7;
	_ =	sdelay $0x2  }
0xf8: {  	s8 =	simm.s32 @!p1 $0x8980  }
0xf9: {  	[tilespmem:v9+s8+$0x0] =	vst.idx.add.f32.msk @!p1 $0xffff, v15  }
0xfa: {  	v7 =	vld @!p1 [tilespmem:s24+$0xFFFFFFD0];
	_ =	sdelay $0x4  }
0xfb: {  	[tilespmem:v10+s8+$0x0] =	vst.idx.add.f32.msk @!p1 $0xffff, v7  }
0xfc: {  	v7 =	vld @!p1 [tilespmem:s24+$0xFFFFFFE0];
	_ =	sdelay $0x4  }
0xfd: {  	[tilespmem:v11+s8+$0x0] =	vst.idx.add.f32.msk @!p1 $0xffff, v7  }
0xfe: {  	v7 =	vld @!p1 [tilespmem:s24+$0xFFFFFFF0];
	_ =	sdelay $0x4  }
0xff: {  	[tilespmem:v12+s8+$0x0] =	vst.idx.add.f32.msk @!p1 $0xffff, v7  }
0x100: {  	v7 =	vld @!p1 [tilespmem:s24+$0x0];
	_ =	sdelay $0x4  }
0x101: {  	[tilespmem:v13+s8+$0x0] =	vst.idx.add.f32.msk @!p1 $0xffff, v7  }
0x102: {  	v7 =	vld @!p1 [tilespmem:s24+$0x10];
	_ =	sdelay $0x4  }
0x103: {  	[tilespmem:v16+s8+$0x0] =	vst.idx.add.f32.msk @!p1 $0xffff, v7  }
0x104: {  	v7 =	vld @!p1 [tilespmem:s24+$0x20];
	_ =	sdelay $0x1  }
.Ltmp7:
0x105: {  	(pc) =	sbr.rel @p2 .LBB2_15-.Ltmp7, $3  }
0x106: {  	_ =	sdelay $0x1  }
0x107: {  	[tilespmem:v14+s8+$0x0] =	vst.idx.add.f32.msk @!p1 $0xffff, v7  }
0x108: {  	v7 =	vld @!p1 [tilespmem:s24+$0x30]  }
0x109: {  	_ =	sdelay $0x3  }
0x10a: {  	s25 =	sshra.s32 s26, $0x2;
	[tilespmem:v6+s8+$0x0] =	vst.idx.add.f32.msk @!p1 $0xffff, v7  }
0x10b: {  	v5 =	vld.idx.msk [tilespmem:v5+s25+$0x0 ss:$0x1], $0xffff;
	_ =	sdelay $0x4  }
0x10c: {  	(v2sf) =	vpush v5, $0x0;
	_ =	sdelay $0xe  }
0x10d: {  	s29 =	spop (v2sf)  }
0x10e: {  	p1 =	slt.s32 s29, $0x0  }
0x10f: {  	v5 =	vbroadcast @!p1 v5, $0x0;
	_ =	sdelay $0x4  }
0x110: {  	v6 =	vimm.f32 @!p1 $1.000000000e+00;
	s8 =	simm.s32 @!p1 $0x10980  }
0x111: {  	s24 =	sadd.s32 $0x80, s24;
	v8 =	vlaneseq.u32 @!p1;
	v7 =	vshll.u32 @!p1 v5, $0x7;
	[tilespmem:v5+s8+$0x0] =	vst.idx.add.f32.msk @!p1 $0x1, v6  }
0x112: {  	v5 =	vor.u32 @!p1 v8, v7;
	v6 =	vld @!p1 [tilespmem:s24+$0xFFFFFFC0];
	_ =	sdelay $0x3  }
0x113: {  	s8 =	simm.s32 @!p1 $0x8980  }
0x114: {  	v9 =	vor.u32 @!p1 $0x10, v8;
	[tilespmem:v5+s8+$0x0] =	vst.idx.add.f32.msk @!p1 $0xffff, v6  }
0x115: {  	v5 =	vor.u32 @!p1 v9, v7;
	v6 =	vld @!p1 [tilespmem:s24+$0xFFFFFFD0];
	_ =	sdelay $0x4  }
0x116: {  	v9 =	vor.u32 @!p1 $0x20, v8;
	[tilespmem:v5+s8+$0x0] =	vst.idx.add.f32.msk @!p1 $0xffff, v6  }
0x117: {  	v5 =	vor.u32 @!p1 v9, v7;
	v6 =	vld @!p1 [tilespmem:s24+$0xFFFFFFE0];
	_ =	sdelay $0x4  }
0x118: {  	v9 =	vor.u32 @!p1 $0x30, v8;
	[tilespmem:v5+s8+$0x0] =	vst.idx.add.f32.msk @!p1 $0xffff, v6  }
0x119: {  	v5 =	vor.u32 @!p1 v9, v7;
	v6 =	vld @!p1 [tilespmem:s24+$0xFFFFFFF0];
	_ =	sdelay $0x4  }
0x11a: {  	v9 =	vor.u32 @!p1 $0x40, v8;
	[tilespmem:v5+s8+$0x0] =	vst.idx.add.f32.msk @!p1 $0xffff, v6  }
0x11b: {  	v5 =	vor.u32 @!p1 v9, v7;
	v6 =	vld @!p1 [tilespmem:s24+$0x0];
	_ =	sdelay $0x4  }
0x11c: {  	v9 =	vor.u32 @!p1 $0x50, v8;
	[tilespmem:v5+s8+$0x0] =	vst.idx.add.f32.msk @!p1 $0xffff, v6  }
0x11d: {  	v5 =	vor.u32 @!p1 v9, v7;
	v6 =	vld @!p1 [tilespmem:s24+$0x10];
	_ =	sdelay $0x4  }
0x11e: {  	v9 =	vor.u32 @!p1 $0x60, v8;
	[tilespmem:v5+s8+$0x0] =	vst.idx.add.f32.msk @!p1 $0xffff, v6  }
0x11f: {  	v5 =	vor.u32 @!p1 v9, v7;
	v6 =	vld @!p1 [tilespmem:s24+$0x20];
	_ =	sdelay $0x4  }
0x120: {  	s2 =	sadd.s32 $0x1, s2;
	v8 =	vor.u32 @!p1 $0x70, v8;
	[tilespmem:v5+s8+$0x0] =	vst.idx.add.f32.msk @!p1 $0xffff, v6  }
0x121: {  	p2 =	sne.s32 s2, s0;
	v5 =	vor.u32 @!p1 v8, v7;
	v6 =	vld @!p1 [tilespmem:s24+$0x30]  }
.Ltmp8:
0x122: {  	_ = 	snop;
	(pc) =	sbr.rel @p2 .LBB2_14-.Ltmp8, $2  }
0x123: {  	_ =	sdelay $0x2  }
0x124: {  	s3 =	sadd.s32 $0x40, s3;
	[tilespmem:v5+s8+$0x0] =	vst.idx.add.f32.msk @!p1 $0xffff, v6  }
.LBB2_17:
0x125: {  	v5 =	vimm.f32 $-Inf;
	v6 =	vimm.f32 $-Inf  }
0x126: {  	v7 =	vimm.f32 $-Inf;
	v8 =	vimm.f32 $-Inf;
	v9 =	vimm.f32 $-Inf  }
0x127: {  	s25 =	simm.s32 $0xFFFFFFFF;
	v10 =	vimm.f32 $-Inf;
	v11 =	vimm.f32 $-Inf;
	v12 =	vimm.f32 $-Inf;
	s0 =	simm.s32 $0x0  }
.LBB2_18:
0x128: {  	s2 =	sshll.u32 s0, $0x6  }
0x129: {  	s2 =	sadd.s32 s10, s2  }
0x12a: {  	s2 =	smin.u32 s2, $0x26D0  }
0x12b: {  	s3 =	sshll.u32 s2, $0x4  }
0x12c: {  	s3 =	sadd.s32 s1, s3  }
0x12d: {  	[tilespmem:s22], [sflag:$0x2] =	stream.linear.gather [hbm4b:s3+s31], $0x2000, $0x38;
	[tilespmem:$0x1AB00] =	vst v63  }
0x12e: {  	_ =	swait.ge [sflag:s15], $0x2000  }
0x12f: {  	s2 =	sshrl.u32 s2, $0x3;
	[sflag:s15] =	ssyncset.done $0x0  }
0x130: {  	s2 =	sadd.s32 s4, s2;
	[sflag:s15] =	ssyncadd.s32 $0xFFFFE000  }
0x131: {  	[tilespmem:s23], [sflag:$0x2] =	stream.linear.gather [hbm4b:s2+s31], $0x40, $0x38;
	[tilespmem:$0x1AB00] =	vst v63  }
0x132: {  	_ =	swait.ge [sflag:s15], $0x40  }
0x133: {  	[sflag:s15] =	ssyncset.done $0x0  }
0x134: {  	s26 =	simm.s32 $0x0;
	[sflag:s15] =	ssyncadd.s32 $0xFFFFFFC0  }
0x135: {  	v13 =	vld [tilespmem:s26+$0x1AA80];
	_ =	sdelay $0x4  }
0x136: {  	(v2sf) =	vpush v13, $0x0;
	_ =	sdelay $0xe  }
0x137: {  	p1 =	slt.s32 s25, $0x0;
	s2 =	spop (v2sf)  }
0x138: {  	p2 =	seq.s32 @!p1 s2, s25  }
0x139: {  	p1 =	por p2, p1  }
0x13a: {  	s3 =	sshll.u32 @!p1 s25, $0x7;
	v13 =	vlaneseq.u32 @!p1  }
0x13b: {  	v14 =	vor.u32 @!p1 s3, v13;
	_ =	sdelay $0x3  }
0x13c: {  	s8 =	simm.s32 @!p1 $0x12A80  }
0x13d: {  	v15 =	vld.idx.msk @!p1 [tilespmem:v14+s8+$0x0], $0xffff  }
0x13e: {  	v16 =	vor.u32 @!p1 $0x10, v13  }
0x13f: {  	v16 =	vor.u32 @!p1 s3, v16;
	_ =	sdelay $0x2  }
0x140: {  	v15 =	vmax.f32 @!p1 v15, v12  }
0x141: {  	[tilespmem:v14+s8+$0x0] =	vst.idx.msk @!p1 $0xffff, v15  }
0x142: {  	v14 =	vld.idx.msk @!p1 [tilespmem:v16+s8+$0x0], $0xffff  }
0x143: {  	v15 =	vor.u32 @!p1 $0x20, v13  }
0x144: {  	v15 =	vor.u32 @!p1 s3, v15;
	_ =	sdelay $0x2  }
0x145: {  	v14 =	vmax.f32 @!p1 v14, v11  }
0x146: {  	[tilespmem:v16+s8+$0x0] =	vst.idx.msk @!p1 $0xffff, v14  }
0x147: {  	v14 =	vld.idx.msk @!p1 [tilespmem:v15+s8+$0x0], $0xffff  }
0x148: {  	v16 =	vor.u32 @!p1 $0x30, v13  }
0x149: {  	v16 =	vor.u32 @!p1 s3, v16;
	_ =	sdelay $0x2  }
0x14a: {  	v14 =	vmax.f32 @!p1 v14, v10  }
0x14b: {  	[tilespmem:v15+s8+$0x0] =	vst.idx.msk @!p1 $0xffff, v14  }
0x14c: {  	v14 =	vld.idx.msk @!p1 [tilespmem:v16+s8+$0x0], $0xffff  }
0x14d: {  	v15 =	vor.u32 @!p1 $0x40, v13  }
0x14e: {  	v15 =	vor.u32 @!p1 s3, v15;
	_ =	sdelay $0x2  }
0x14f: {  	v14 =	vmax.f32 @!p1 v14, v9  }
0x150: {  	[tilespmem:v16+s8+$0x0] =	vst.idx.msk @!p1 $0xffff, v14  }
0x151: {  	v14 =	vld.idx.msk @!p1 [tilespmem:v15+s8+$0x0], $0xffff  }
0x152: {  	v16 =	vor.u32 @!p1 $0x50, v13  }
0x153: {  	v16 =	vor.u32 @!p1 s3, v16;
	_ =	sdelay $0x2  }
0x154: {  	v14 =	vmax.f32 @!p1 v14, v8  }
0x155: {  	[tilespmem:v15+s8+$0x0] =	vst.idx.msk @!p1 $0xffff, v14  }
0x156: {  	v14 =	vld.idx.msk @!p1 [tilespmem:v16+s8+$0x0], $0xffff  }
0x157: {  	v15 =	vor.u32 @!p1 $0x60, v13  }
0x158: {  	v15 =	vor.u32 @!p1 s3, v15;
	_ =	sdelay $0x2  }
0x159: {  	v14 =	vmax.f32 @!p1 v14, v7  }
0x15a: {  	[tilespmem:v16+s8+$0x0] =	vst.idx.msk @!p1 $0xffff, v14  }
0x15b: {  	v14 =	vld.idx.msk @!p1 [tilespmem:v15+s8+$0x0], $0xffff  }
0x15c: {  	v13 =	vor.u32 @!p1 $0x70, v13  }
0x15d: {  	v13 =	vor.u32 @!p1 s3, v13;
	_ =	sdelay $0x2  }
0x15e: {  	v14 =	vmax.f32 @!p1 v14, v6  }
0x15f: {  	[tilespmem:v15+s8+$0x0] =	vst.idx.msk @!p1 $0xffff, v14  }
0x160: {  	v14 =	vld.idx.msk @!p1 [tilespmem:v13+s8+$0x0], $0xffff;
	_ =	sdelay $0x4  }
0x161: {  	v14 =	vmax.f32 @!p1 v14, v5  }
0x162: {  	s26 =	simm.s32 $0x10AC0;
	[tilespmem:v13+s8+$0x0] =	vst.idx.msk @!p1 $0xffff, v14  }
0x163: {  	s29 =	simm.s32 $0x1;
	v13 =	vld [tilespmem:s26+$0x30]  }
0x164: {  	v17 =	vld [tilespmem:s29+$0x1AA80]  }
0x165: {  	v15 =	vld [tilespmem:s26+$0x10]  }
0x166: {  	s28 =	simm.s32 $0xC;
	s24 =	simm.s32 $0x10B40;
	v14 =	vld [tilespmem:s26+$0x20]  }
0x167: {  	s3 =	simm.s32 $0x10B40;
	p1 =	sne.s32 s2, s25;
	s25 =	simm.s32 $0x2;
	v16 =	vld [tilespmem:s26+$0xFFFFFFD0]  }
.LBB2_19:
0x168: {  	s3 =	sadd.s32 $0x80, s3;
	v18 =	vld [tilespmem:s26+$0xFFFFFFF0];
	v5 =	vmax.f32 v5, v13;
	s29 =	smov.u32 s28;
	s28 =	sadd.s32 $0x4, s28  }
0x169: {  	p2 =	sne.s32 s28, $0x100;
	v19 =	vld [tilespmem:s26+$0x0];
	v5 =	vpsel p1, v13, v5  }
0x16a: {  	v13 =	vld [tilespmem:s26+$0xFFFFFFE0];
	v7 =	vmax.f32 v7, v15  }
0x16b: {  	v20 =	vld [tilespmem:s26+$0xFFFFFFC0];
	v7 =	vpsel p1, v15, v7;
	v6 =	vmax.f32 v6, v14;
	s26 =	smov.u32 s24;
	s24 =	smov.u32 s3  }
0x16c: {  	(v2sf) =	vpush v17, $0x0;
	v11 =	vmax.f32 v11, v16  }
0x16d: {  	v6 =	vpsel p1, v14, v6;
	v11 =	vpsel p1, v16, v11;
	v9 =	vmax.f32 v9, v18  }
0x16e: {  	v9 =	vpsel p1, v18, v9;
	v8 =	vmax.f32 v8, v19  }
0x16f: {  	v10 =	vmax.f32 v10, v13;
	v8 =	vpsel p1, v19, v8  }
0x170: {  	v12 =	vmax.f32 v12, v20;
	v10 =	vpsel p1, v13, v10  }
0x171: {  	v12 =	vpsel p1, v20, v12;
	_ =	sdelay $0x9  }
0x172: {  	p3 =	slt.s32 s2, $0x0;
	s8 =	spop (v2sf)  }
0x173: {  	p4 =	seq.s32 @!p3 s8, s2;
	p1 =	sne.s32 s8, s2  }
0x174: {  	p3 =	por p4, p3  }
0x175: {  	s11 =	sshll.u32 @!p3 s2, $0x7;
	v13 =	vlaneseq.u32 @!p3;
	s2 =	smov.u32 s8  }
0x176: {  	v14 =	vor.u32 @!p3 s11, v13;
	v15 =	vor.u32 @!p3 $0x10, v13;
	v16 =	vor.u32 @!p3 $0x20, v13  }
0x177: {  	v17 =	vor.u32 @!p3 $0x30, v13;
	v15 =	vor.u32 @!p3 s11, v15;
	v16 =	vor.u32 @!p3 s11, v16  }
0x178: {  	v18 =	vor.u32 @!p3 $0x40, v13;
	v19 =	vor.u32 @!p3 $0x50, v13;
	v17 =	vor.u32 @!p3 s11, v17  }
0x179: {  	v20 =	vor.u32 @!p3 $0x60, v13;
	v18 =	vor.u32 @!p3 s11, v18;
	v19 =	vor.u32 @!p3 s11, v19  }
0x17a: {  	s8 =	simm.s32 @!p3 $0x12A80;
	v13 =	vor.u32 @!p3 $0x70, v13;
	v20 =	vor.u32 @!p3 s11, v20  }
0x17b: {  	v13 =	vor.u32 @!p3 s11, v13;
	v21 =	vld.idx.msk @!p3 [tilespmem:v14+s8+$0x0], $0xffff;
	_ =	sdelay $0x5  }
0x17c: {  	v21 =	vmax.f32 @!p3 v21, v12  }
0x17d: {  	[tilespmem:v14+s8+$0x0] =	vst.idx.msk @!p3 $0xffff, v21  }
0x17e: {  	v14 =	vld.idx.msk @!p3 [tilespmem:v15+s8+$0x0], $0xffff;
	_ =	sdelay $0x5  }
0x17f: {  	v14 =	vmax.f32 @!p3 v14, v11  }
0x180: {  	[tilespmem:v15+s8+$0x0] =	vst.idx.msk @!p3 $0xffff, v14  }
0x181: {  	v14 =	vld.idx.msk @!p3 [tilespmem:v16+s8+$0x0], $0xffff;
	_ =	sdelay $0x5  }
0x182: {  	v14 =	vmax.f32 @!p3 v14, v10  }
0x183: {  	[tilespmem:v16+s8+$0x0] =	vst.idx.msk @!p3 $0xffff, v14  }
0x184: {  	v14 =	vld.idx.msk @!p3 [tilespmem:v17+s8+$0x0], $0xffff;
	_ =	sdelay $0x5  }
0x185: {  	v14 =	vmax.f32 @!p3 v14, v9  }
0x186: {  	[tilespmem:v17+s8+$0x0] =	vst.idx.msk @!p3 $0xffff, v14  }
0x187: {  	v14 =	vld.idx.msk @!p3 [tilespmem:v18+s8+$0x0], $0xffff;
	_ =	sdelay $0x5  }
0x188: {  	v14 =	vmax.f32 @!p3 v14, v8  }
0x189: {  	[tilespmem:v18+s8+$0x0] =	vst.idx.msk @!p3 $0xffff, v14  }
0x18a: {  	v14 =	vld.idx.msk @!p3 [tilespmem:v19+s8+$0x0], $0xffff;
	_ =	sdelay $0x5  }
0x18b: {  	v14 =	vmax.f32 @!p3 v14, v7  }
0x18c: {  	[tilespmem:v19+s8+$0x0] =	vst.idx.msk @!p3 $0xffff, v14  }
0x18d: {  	v14 =	vld.idx.msk @!p3 [tilespmem:v20+s8+$0x0], $0xffff;
	_ =	sdelay $0x5  }
0x18e: {  	v14 =	vmax.f32 @!p3 v14, v6  }
0x18f: {  	[tilespmem:v20+s8+$0x0] =	vst.idx.msk @!p3 $0xffff, v14  }
0x190: {  	v14 =	vld.idx.msk @!p3 [tilespmem:v13+s8+$0x0], $0xffff;
	_ =	sdelay $0x5  }
0x191: {  	v14 =	vmax.f32 @!p3 v14, v5  }
0x192: {  	[tilespmem:v13+s8+$0x0] =	vst.idx.msk @!p3 $0xffff, v14  }
.Ltmp9:
0x193: {  	v13 =	vld [tilespmem:s26+$0x30];
	(pc) =	sbr.rel @p2 .LBB2_19-.Ltmp9, $4  }
0x194: {  	v17 =	vld [tilespmem:s25+$0x1AA80]  }
0x195: {  	s25 =	sshra.s32 s29, $0x2;
	v15 =	vld [tilespmem:s26+$0x10]  }
0x196: {  	v14 =	vld [tilespmem:s26+$0x20]  }
0x197: {  	v16 =	vld [tilespmem:s26+$0xFFFFFFD0]  }
0x198: {  	_ = 	snop  }
0x199: {  	(v2sf) =	vpush v17, $0x0;
	_ =	sdelay $0xe  }
0x19a: {  	p2 =	slt.s32 s2, $0x0;
	s28 =	spop (v2sf)  }
0x19b: {  	p3 =	seq.s32 @!p2 s28, s2  }
0x19c: {  	p2 =	por p3, p2  }
0x19d: {  	s8 =	sshll.u32 @!p2 s2, $0x7;
	v17 =	vlaneseq.u32 @!p2  }
0x19e: {  	v18 =	vor.u32 @!p2 s8, v17;
	_ =	sdelay $0x2  }
0x19f: {  	v19 =	vld [tilespmem:s26+$0xFFFFFFC0]  }
0x1a0: {  	s11 =	simm.s32 @!p2 $0x12A80  }
0x1a1: {  	v20 =	vld.idx.msk @!p2 [tilespmem:v18+s11+$0x0], $0xffff  }
0x1a2: {  	v21 =	vor.u32 @!p2 $0x10, v17  }
0x1a3: {  	v21 =	vor.u32 @!p2 s8, v21  }
0x1a4: {  	v12 =	vmax.f32 v12, v19  }
0x1a5: {  	v22 =	vld [tilespmem:s26+$0xFFFFFFF0];
	v12 =	vpsel p1, v19, v12  }
0x1a6: {  	v23 =	vld [tilespmem:s26+$0x0];
	v20 =	vmax.f32 @!p2 v20, v12  }
0x1a7: {  	v56 =	vld [tilespmem:s26+$0xFFFFFFE0];
	[tilespmem:v18+s11+$0x0] =	vst.idx.msk @!p2 $0xffff, v20  }
0x1a8: {  	v18 =	vld.idx.msk @!p2 [tilespmem:v21+s11+$0x0], $0xffff  }
0x1a9: {  	v20 =	vor.u32 @!p2 $0x20, v17  }
0x1aa: {  	v20 =	vor.u32 @!p2 s8, v20  }
0x1ab: {  	v11 =	vmax.f32 v11, v16  }
0x1ac: {  	v11 =	vpsel p1, v16, v11  }
0x1ad: {  	v16 =	vmax.f32 @!p2 v18, v11  }
0x1ae: {  	[tilespmem:v21+s11+$0x0] =	vst.idx.msk @!p2 $0xffff, v16  }
0x1af: {  	v16 =	vld.idx.msk @!p2 [tilespmem:v20+s11+$0x0], $0xffff  }
0x1b0: {  	v18 =	vor.u32 @!p2 $0x30, v17  }
0x1b1: {  	v18 =	vor.u32 @!p2 s8, v18  }
0x1b2: {  	v10 =	vmax.f32 v10, v56  }
0x1b3: {  	v10 =	vpsel p1, v56, v10  }
0x1b4: {  	v16 =	vmax.f32 @!p2 v16, v10  }
0x1b5: {  	[tilespmem:v20+s11+$0x0] =	vst.idx.msk @!p2 $0xffff, v16  }
0x1b6: {  	v16 =	vld.idx.msk @!p2 [tilespmem:v18+s11+$0x0], $0xffff  }
0x1b7: {  	v19 =	vor.u32 @!p2 $0x40, v17  }
0x1b8: {  	v19 =	vor.u32 @!p2 s8, v19  }
0x1b9: {  	v9 =	vmax.f32 v9, v22  }
0x1ba: {  	v9 =	vpsel p1, v22, v9  }
0x1bb: {  	v16 =	vmax.f32 @!p2 v16, v9  }
0x1bc: {  	[tilespmem:v18+s11+$0x0] =	vst.idx.msk @!p2 $0xffff, v16  }
0x1bd: {  	v16 =	vld.idx.msk @!p2 [tilespmem:v19+s11+$0x0], $0xffff  }
0x1be: {  	v18 =	vor.u32 @!p2 $0x50, v17  }
0x1bf: {  	v18 =	vor.u32 @!p2 s8, v18  }
0x1c0: {  	v8 =	vmax.f32 v8, v23  }
0x1c1: {  	v8 =	vpsel p1, v23, v8  }
0x1c2: {  	v16 =	vmax.f32 @!p2 v16, v8  }
0x1c3: {  	[tilespmem:v19+s11+$0x0] =	vst.idx.msk @!p2 $0xffff, v16  }
0x1c4: {  	v16 =	vld.idx.msk @!p2 [tilespmem:v18+s11+$0x0], $0xffff  }
0x1c5: {  	v19 =	vor.u32 @!p2 $0x60, v17  }
0x1c6: {  	v19 =	vor.u32 @!p2 s8, v19  }
0x1c7: {  	v7 =	vmax.f32 v7, v15  }
0x1c8: {  	v7 =	vpsel p1, v15, v7  }
0x1c9: {  	v15 =	vmax.f32 @!p2 v16, v7  }
0x1ca: {  	[tilespmem:v18+s11+$0x0] =	vst.idx.msk @!p2 $0xffff, v15  }
0x1cb: {  	v15 =	vld.idx.msk @!p2 [tilespmem:v19+s11+$0x0], $0xffff  }
0x1cc: {  	v16 =	vor.u32 @!p2 $0x70, v17  }
0x1cd: {  	v16 =	vor.u32 @!p2 s8, v16  }
0x1ce: {  	v6 =	vmax.f32 v6, v14  }
0x1cf: {  	v6 =	vpsel p1, v14, v6  }
0x1d0: {  	v14 =	vmax.f32 @!p2 v15, v6  }
0x1d1: {  	[tilespmem:v19+s11+$0x0] =	vst.idx.msk @!p2 $0xffff, v14  }
0x1d2: {  	v14 =	vld.idx.msk @!p2 [tilespmem:v16+s11+$0x0], $0xffff;
	_ =	sdelay $0x2  }
0x1d3: {  	v5 =	vmax.f32 v5, v13  }
0x1d4: {  	v5 =	vpsel p1, v13, v5  }
0x1d5: {  	v13 =	vmax.f32 @!p2 v14, v5  }
0x1d6: {  	[tilespmem:v16+s11+$0x0] =	vst.idx.msk @!p2 $0xffff, v13  }
0x1d7: {  	v13 =	vld [tilespmem:s25+$0x1AA80];
	_ =	sdelay $0x4  }
0x1d8: {  	(v2sf) =	vpush v13, $0x0;
	_ =	sdelay $0xe  }
0x1d9: {  	p1 =	slt.s32 s28, $0x0;
	s25 =	spop (v2sf)  }
0x1da: {  	p2 =	seq.s32 @!p1 s25, s28  }
0x1db: {  	p1 =	por p2, p1  }
0x1dc: {  	s8 =	sshll.u32 @!p1 s28, $0x7;
	v14 =	vlaneseq.u32 @!p1  }
0x1dd: {  	v15 =	vor.u32 @!p1 s8, v14;
	_ =	sdelay $0x2  }
0x1de: {  	v57 =	vld [tilespmem:s24+$0xFFFFFFC0]  }
0x1df: {  	v16 =	vld [tilespmem:s24+$0x30];
	s11 =	simm.s32 @!p1 $0x12A80  }
0x1e0: {  	v19 =	vld.idx.msk @!p1 [tilespmem:v15+s11+$0x0], $0xffff  }
0x1e1: {  	v18 =	vld [tilespmem:s24+$0x10];
	v21 =	vor.u32 @!p1 $0x10, v14  }
0x1e2: {  	v20 =	vld [tilespmem:s24+$0x20];
	v21 =	vor.u32 @!p1 s8, v21  }
0x1e3: {  	p5 =	sne.s32 s28, s2;
	v58 =	vld [tilespmem:s24+$0xFFFFFFD0];
	v12 =	vmax.f32 v12, v57  }
0x1e4: {  	v59 =	vld [tilespmem:s24+$0xFFFFFFF0];
	v12 =	vpsel p5, v57, v12  }
0x1e5: {  	v24 =	vld [tilespmem:s24+$0x0];
	v19 =	vmax.f32 @!p1 v19, v12  }
0x1e6: {  	v60 =	vld [tilespmem:s24+$0xFFFFFFE0];
	[tilespmem:v15+s11+$0x0] =	vst.idx.msk @!p1 $0xffff, v19  }
0x1e7: {  	v15 =	vld.idx.msk @!p1 [tilespmem:v21+s11+$0x0], $0xffff  }
0x1e8: {  	v19 =	vor.u32 @!p1 $0x20, v14  }
0x1e9: {  	v19 =	vor.u32 @!p1 s8, v19  }
0x1ea: {  	v11 =	vmax.f32 v11, v58  }
0x1eb: {  	v11 =	vpsel p5, v58, v11  }
0x1ec: {  	v15 =	vmax.f32 @!p1 v15, v11  }
0x1ed: {  	[tilespmem:v21+s11+$0x0] =	vst.idx.msk @!p1 $0xffff, v15  }
0x1ee: {  	v15 =	vld.idx.msk @!p1 [tilespmem:v19+s11+$0x0], $0xffff  }
0x1ef: {  	v21 =	vor.u32 @!p1 $0x30, v14  }
0x1f0: {  	v21 =	vor.u32 @!p1 s8, v21  }
0x1f1: {  	v10 =	vmax.f32 v10, v60  }
0x1f2: {  	v10 =	vpsel p5, v60, v10  }
0x1f3: {  	v15 =	vmax.f32 @!p1 v15, v10  }
0x1f4: {  	[tilespmem:v19+s11+$0x0] =	vst.idx.msk @!p1 $0xffff, v15  }
0x1f5: {  	v15 =	vld.idx.msk @!p1 [tilespmem:v21+s11+$0x0], $0xffff  }
0x1f6: {  	v17 =	vor.u32 @!p1 $0x40, v14  }
0x1f7: {  	v17 =	vor.u32 @!p1 s8, v17  }
0x1f8: {  	v9 =	vmax.f32 v9, v59  }
0x1f9: {  	v9 =	vpsel p5, v59, v9  }
0x1fa: {  	v15 =	vmax.f32 @!p1 v15, v9  }
0x1fb: {  	[tilespmem:v21+s11+$0x0] =	vst.idx.msk @!p1 $0xffff, v15  }
0x1fc: {  	v15 =	vld.idx.msk @!p1 [tilespmem:v17+s11+$0x0], $0xffff  }
0x1fd: {  	v19 =	vor.u32 @!p1 $0x50, v14  }
0x1fe: {  	v19 =	vor.u32 @!p1 s8, v19  }
0x1ff: {  	v8 =	vmax.f32 v8, v24  }
0x200: {  	v8 =	vpsel p5, v24, v8  }
0x201: {  	v15 =	vmax.f32 @!p1 v15, v8  }
0x202: {  	[tilespmem:v17+s11+$0x0] =	vst.idx.msk @!p1 $0xffff, v15  }
0x203: {  	v15 =	vld.idx.msk @!p1 [tilespmem:v19+s11+$0x0], $0xffff  }
0x204: {  	v17 =	vor.u32 @!p1 $0x60, v14  }
0x205: {  	v17 =	vor.u32 @!p1 s8, v17  }
0x206: {  	v7 =	vmax.f32 v7, v18  }
0x207: {  	v7 =	vpsel p5, v18, v7  }
0x208: {  	v15 =	vmax.f32 @!p1 v15, v7  }
0x209: {  	[tilespmem:v19+s11+$0x0] =	vst.idx.msk @!p1 $0xffff, v15  }
0x20a: {  	v15 =	vld.idx.msk @!p1 [tilespmem:v17+s11+$0x0], $0xffff  }
0x20b: {  	v14 =	vor.u32 @!p1 $0x70, v14  }
0x20c: {  	v14 =	vor.u32 @!p1 s8, v14  }
0x20d: {  	v6 =	vmax.f32 v6, v20  }
0x20e: {  	v6 =	vpsel p5, v20, v6  }
0x20f: {  	v15 =	vmax.f32 @!p1 v15, v6  }
0x210: {  	[tilespmem:v17+s11+$0x0] =	vst.idx.msk @!p1 $0xffff, v15  }
0x211: {  	v15 =	vld.idx.msk @!p1 [tilespmem:v14+s11+$0x0], $0xffff;
	_ =	sdelay $0x2  }
0x212: {  	v5 =	vmax.f32 v5, v16  }
0x213: {  	v5 =	vpsel p5, v16, v5  }
0x214: {  	v15 =	vmax.f32 @!p1 v15, v5  }
0x215: {  	s29 =	sadd.s32 $0x80, s3;
	[tilespmem:v14+s11+$0x0] =	vst.idx.msk @!p1 $0xffff, v15  }
0x216: {  	v14 =	vld [tilespmem:s29+$0x30]  }
0x217: {  	v15 =	vld [tilespmem:s29+$0x10]  }
0x218: {  	v61 =	vld [tilespmem:s29+$0x20]  }
0x219: {  	v17 =	vld [tilespmem:s29+$0xFFFFFFD0]  }
0x21a: {  	v62 =	vld [tilespmem:s29+$0xFFFFFFF0]  }
0x21b: {  	v19 =	vld [tilespmem:s29+$0x0]  }
0x21c: {  	v63 =	vld [tilespmem:s29+$0xFFFFFFE0]  }
0x21d: {  	v21 =	vld [tilespmem:s29+$0xFFFFFFC0]  }
0x21e: {  	s0 =	sadd.s32 $0x1, s0  }
0x21f: {  	p2 =	sne.s32 s0, $0x5;
	v5 =	vmax.f32 v5, v14  }
.Ltmp10:
0x220: {  	v7 =	vmax.f32 v7, v15;
	v6 =	vmax.f32 v6, v61;
	v11 =	vmax.f32 v11, v17;
	(pc) =	sbr.rel @p2 .LBB2_18-.Ltmp10, $4  }
0x221: {  	p6 =	sne.s32 s25, s28;
	v9 =	vmax.f32 v9, v62;
	v8 =	vmax.f32 v8, v19;
	v10 =	vmax.f32 v10, v63  }
0x222: {  	v12 =	vmax.f32 v12, v21;
	v5 =	vpsel p6, v14, v5;
	v7 =	vpsel p6, v15, v7  }
0x223: {  	v11 =	vpsel p6, v17, v11;
	v6 =	vpsel p6, v61, v6;
	v9 =	vpsel p6, v62, v9  }
0x224: {  	v8 =	vpsel p6, v19, v8;
	v10 =	vpsel p6, v63, v10;
	v12 =	vpsel p6, v21, v12  }
0x225: {  	p1 =	slt.s32 s25, $0x0  }
0x226: {  	v13 =	vshll.u32 @!p1 v13, $0x7  }
0x227: {  	v13 =	vbroadcast @!p1 v13, $0x0  }
0x228: {  	v14 =	vlaneseq.u32 @!p1  }
0x229: {  	v15 =	vor.u32 @!p1 v14, v13;
	_ =	sdelay $0x3  }
0x22a: {  	s0 =	simm.s32 @!p1 $0x12A80  }
0x22b: {  	v16 =	vld.idx.msk @!p1 [tilespmem:v15+s0+$0x0], $0xffff  }
0x22c: {  	v17 =	vor.u32 @!p1 $0x10, v14  }
0x22d: {  	v17 =	vor.u32 @!p1 v17, v13;
	_ =	sdelay $0x2  }
0x22e: {  	v12 =	vmax.f32 @!p1 v16, v12  }
0x22f: {  	[tilespmem:v15+s0+$0x0] =	vst.idx.msk @!p1 $0xffff, v12  }
0x230: {  	v12 =	vld.idx.msk @!p1 [tilespmem:v17+s0+$0x0], $0xffff  }
0x231: {  	v15 =	vor.u32 @!p1 $0x20, v14  }
0x232: {  	v15 =	vor.u32 @!p1 v15, v13;
	_ =	sdelay $0x2  }
0x233: {  	v11 =	vmax.f32 @!p1 v12, v11  }
0x234: {  	[tilespmem:v17+s0+$0x0] =	vst.idx.msk @!p1 $0xffff, v11  }
0x235: {  	v11 =	vld.idx.msk @!p1 [tilespmem:v15+s0+$0x0], $0xffff  }
0x236: {  	v12 =	vor.u32 @!p1 $0x30, v14  }
0x237: {  	v12 =	vor.u32 @!p1 v12, v13;
	_ =	sdelay $0x2  }
0x238: {  	v10 =	vmax.f32 @!p1 v11, v10  }
0x239: {  	[tilespmem:v15+s0+$0x0] =	vst.idx.msk @!p1 $0xffff, v10  }
0x23a: {  	v10 =	vld.idx.msk @!p1 [tilespmem:v12+s0+$0x0], $0xffff  }
0x23b: {  	v11 =	vor.u32 @!p1 $0x40, v14  }
0x23c: {  	v11 =	vor.u32 @!p1 v11, v13;
	_ =	sdelay $0x2  }
0x23d: {  	v9 =	vmax.f32 @!p1 v10, v9  }
0x23e: {  	[tilespmem:v12+s0+$0x0] =	vst.idx.msk @!p1 $0xffff, v9  }
0x23f: {  	v9 =	vld.idx.msk @!p1 [tilespmem:v11+s0+$0x0], $0xffff  }
0x240: {  	v10 =	vor.u32 @!p1 $0x50, v14  }
0x241: {  	v10 =	vor.u32 @!p1 v10, v13;
	_ =	sdelay $0x2  }
0x242: {  	v8 =	vmax.f32 @!p1 v9, v8  }
0x243: {  	[tilespmem:v11+s0+$0x0] =	vst.idx.msk @!p1 $0xffff, v8  }
0x244: {  	v8 =	vld.idx.msk @!p1 [tilespmem:v10+s0+$0x0], $0xffff  }
0x245: {  	v9 =	vor.u32 @!p1 $0x60, v14  }
0x246: {  	v9 =	vor.u32 @!p1 v9, v13;
	_ =	sdelay $0x2  }
0x247: {  	v7 =	vmax.f32 @!p1 v8, v7  }
0x248: {  	[tilespmem:v10+s0+$0x0] =	vst.idx.msk @!p1 $0xffff, v7  }
0x249: {  	v7 =	vld.idx.msk @!p1 [tilespmem:v9+s0+$0x0], $0xffff  }
0x24a: {  	v8 =	vor.u32 @!p1 $0x70, v14  }
0x24b: {  	v8 =	vor.u32 @!p1 v8, v13;
	_ =	sdelay $0x2  }
0x24c: {  	v6 =	vmax.f32 @!p1 v7, v6  }
0x24d: {  	[tilespmem:v9+s0+$0x0] =	vst.idx.msk @!p1 $0xffff, v6  }
0x24e: {  	v6 =	vld.idx.msk @!p1 [tilespmem:v8+s0+$0x0], $0xffff;
	_ =	sdelay $0x4  }
0x24f: {  	v5 =	vmax.f32 @!p1 v6, v5  }
0x250: {  	s25 =	rddreg [dreg:$0x7];
	s2 =	simm.s32 $0x8980;
	[tilespmem:v8+s0+$0x0] =	vst.idx.msk @!p1 $0xffff, v5  }
0x251: {  	[hbm4b:s25+s5] =	stream.linear.scatter [tilespmem:s2], [sflag:$0x2], $0x8000, $0x38;
	[tilespmem:$0x1AB00] =	vst v63  }
0x252: {  	_ =	swait.ge [sflag:s15], $0x8000  }
0x253: {  	s26 =	simm.s32 $0x80;
	[sflag:s15] =	ssyncset.done $0x0  }
0x254: {  	s28 =	simm.s32 $0x400;
	s3 =	simm.s32 $0x10980;
	[sflag:s15] =	ssyncadd.s32 $0xFFFF8000  }
0x255: {  	[hbm4b:s12+s26] =	stream.strided.scatter [tilespmem:s3], [sflag:$0x2], $0x100, s28, s26, $0x38;
	[tilespmem:$0x1AB00] =	vst v63  }
0x256: {  	_ =	swait.ge [sflag:s15], $0x100  }
0x257: {  	[sflag:s15] =	ssyncset.done $0x0  }
0x258: {  	s29 =	simm.s32 $0x12A80;
	[sflag:s15] =	ssyncadd.s32 $0xFFFFFF00  }
0x259: {  	[hbm4b:s13+s5] =	stream.linear.scatter [tilespmem:s29], [sflag:$0x2], $0x8000, $0x38;
	[tilespmem:$0x1AB00] =	vst v63  }
0x25a: {  	_ =	swait.ge [sflag:s15], $0x8000  }
0x25b: {  	[sflag:s15] =	ssyncset.done $0x0  }
0x25c: {  	[sflag:s15] =	ssyncadd.s32 $0xFFFF8000  }
0x25d: {  	v5 =	vld @!p0 [tilespmem:$0x2780];
	_ =	sdelay $0x5  }
0x25e: {  	v6 =	vld @!p0 [tilespmem:$0x2790]  }
0x25f: {  	s0 =	simm.s32 @!p0 $0x0  }
0x260: {  	v5 =	vld.idx.msk @!p0 [tilespmem:v5+s0+$0x0], $0xffff;
	_ =	sdelay $0x3  }
0x261: {  	v7 =	vld @!p0 [tilespmem:$0x27A0]  }
0x262: {  	[tilespmem:$0x6100] =	vst @!p0 v5  }
0x263: {  	v5 =	vld.idx.msk @!p0 [tilespmem:v6+s0+$0x0], $0xffff;
	_ =	sdelay $0x3  }
0x264: {  	v6 =	vld @!p0 [tilespmem:$0x27B0]  }
0x265: {  	[tilespmem:$0x6110] =	vst @!p0 v5  }
0x266: {  	v5 =	vld.idx.msk @!p0 [tilespmem:v7+s0+$0x0], $0xffff;
	_ =	sdelay $0x3  }
0x267: {  	v7 =	vld @!p0 [tilespmem:$0x27C0]  }
0x268: {  	[tilespmem:$0x6120] =	vst @!p0 v5  }
0x269: {  	v5 =	vld.idx.msk @!p0 [tilespmem:v6+s0+$0x0], $0xffff;
	_ =	sdelay $0x3  }
0x26a: {  	v6 =	vld @!p0 [tilespmem:$0x27D0]  }
0x26b: {  	[tilespmem:$0x6130] =	vst @!p0 v5  }
0x26c: {  	v5 =	vld.idx.msk @!p0 [tilespmem:v7+s0+$0x0], $0xffff;
	_ =	sdelay $0x3  }
0x26d: {  	v7 =	vld @!p0 [tilespmem:$0x27E0]  }
0x26e: {  	[tilespmem:$0x6140] =	vst @!p0 v5  }
0x26f: {  	v5 =	vld.idx.msk @!p0 [tilespmem:v6+s0+$0x0], $0xffff;
	_ =	sdelay $0x3  }
0x270: {  	v6 =	vld @!p0 [tilespmem:$0x27F0]  }
0x271: {  	[tilespmem:$0x6150] =	vst @!p0 v5  }
0x272: {  	v5 =	vld.idx.msk @!p0 [tilespmem:v7+s0+$0x0], $0xffff;
	_ =	sdelay $0x3  }
0x273: {  	v7 =	vld @!p0 [tilespmem:$0x2800]  }
0x274: {  	[tilespmem:$0x6160] =	vst @!p0 v5  }
0x275: {  	v5 =	vld.idx.msk @!p0 [tilespmem:v6+s0+$0x0], $0xffff;
	_ =	sdelay $0x3  }
0x276: {  	v6 =	vld @!p0 [tilespmem:$0x2810]  }
0x277: {  	[tilespmem:$0x6170] =	vst @!p0 v5  }
0x278: {  	v5 =	vld.idx.msk @!p0 [tilespmem:v7+s0+$0x0], $0xffff;
	_ =	sdelay $0x3  }
0x279: {  	v7 =	vld @!p0 [tilespmem:$0x2820]  }
0x27a: {  	[tilespmem:$0x6180] =	vst @!p0 v5  }
0x27b: {  	v5 =	vld.idx.msk @!p0 [tilespmem:v6+s0+$0x0], $0xffff;
	_ =	sdelay $0x3  }
0x27c: {  	v6 =	vld @!p0 [tilespmem:$0x2830]  }
0x27d: {  	[tilespmem:$0x6190] =	vst @!p0 v5  }
0x27e: {  	v5 =	vld.idx.msk @!p0 [tilespmem:v7+s0+$0x0], $0xffff;
	_ =	sdelay $0x3  }
0x27f: {  	v7 =	vld @!p0 [tilespmem:$0x2840]  }
0x280: {  	[tilespmem:$0x61A0] =	vst @!p0 v5  }
0x281: {  	v5 =	vld.idx.msk @!p0 [tilespmem:v6+s0+$0x0], $0xffff;
	_ =	sdelay $0x3  }
0x282: {  	v6 =	vld @!p0 [tilespmem:$0x2850]  }
0x283: {  	[tilespmem:$0x61B0] =	vst @!p0 v5  }
0x284: {  	v5 =	vld.idx.msk @!p0 [tilespmem:v7+s0+$0x0], $0xffff;
	_ =	sdelay $0x3  }
0x285: {  	v7 =	vld @!p0 [tilespmem:$0x2860]  }
0x286: {  	[tilespmem:$0x61C0] =	vst @!p0 v5  }
0x287: {  	v5 =	vld.idx.msk @!p0 [tilespmem:v6+s0+$0x0], $0xffff;
	_ =	sdelay $0x3  }
0x288: {  	v6 =	vld @!p0 [tilespmem:$0x2870]  }
0x289: {  	[tilespmem:$0x61D0] =	vst @!p0 v5  }
0x28a: {  	v5 =	vld.idx.msk @!p0 [tilespmem:v7+s0+$0x0], $0xffff;
	_ =	sdelay $0x4  }
0x28b: {  	[tilespmem:$0x61E0] =	vst @!p0 v5  }
0x28c: {  	v5 =	vld.idx.msk @!p0 [tilespmem:v6+s0+$0x0], $0xffff;
	_ =	sdelay $0x3  }
0x28d: {  	s30 =	sadd.s32 $0x1, s30  }
0x28e: {  	p1 =	sne.s32 s30, s14;
	s2 =	simm.s32 @!p0 $0x6100;
	s3 =	rddreg [dreg:$0x6];
	[tilespmem:$0x61F0] =	vst @!p0 v5  }
0x28f: {  	[hbm4b:s3+s0] =	stream.linear.scatter @!p0 [tilespmem:s2], [sflag:$0x2], $0x100, $0x38;
	[tilespmem:$0x1AB00] =	vst v63  }
.Ltmp11:
0x290: {  	_ = 	snop;
	(pc) =	sbr.rel @p1 .LBB2_1-.Ltmp11, $4  }
0x291: {  	s0 =	simm.s32 @!p0 $0x2  }
0x292: {  	_ =	swait.ge @!p0 [sflag:s0], $0x100  }
0x293: {  	[sflag:s0] =	ssyncset.done @!p0 $0x0  }
0x294: {  	[sflag:s0] =	ssyncadd.s32 @!p0 $0xFFFFFF00  }
0x295: {  	_ =	sfence.sel $0x180000  }
0x296: {  	[bflag:$0x0] =	sbarrier.arrive $0xFFFF  }
0x297: {  	_ =	strace $0x90000047  }
0x298: {  	s0 =	stileid.u32;
	[bflag:$0x2] =	sbarrier.arrive $0xFFFF  }
0x299: {  	p0 =	sne.s32 s0, $0x0;
	s0 =	rddreg [dreg:$0x5]  }
0x29a: {  	s0 =	sadd.s32 @!p0 $0x100000, s0  }
0x29b: {  	[sflag:s0] =	ssyncadd.tile.s32 @!p0 $0x1;
	_ =	shalt  }
.Lfunc_end2:
_tile_overlayer_lowered:
.L_overlay_start_2:
0x29c: {  	(tag) =	ssettag $0x2  }
0x29d: {  	s0 =	rddreg [dreg:$0x0];
	s2 =	stileid.u32  }
0x29e: {  	s1 =	rddreg [dreg:$0x1];
	p0 =	sne.s32 s2, $0x0  }
0x29f: {  	s3 =	rddreg [dreg:$0x2];
	[bflag:$0x3] =	sbarrier.arrive $0xFFFF;
	s2 =	simm.s32 @!p0 $0x1C02  }
0x2a0: {  	[timem:s3], [sflag:s2] =	dma.local @!p0 [hbm:s0], s1  }
0x2a1: {  	s0 =	simm.s32 @!p0 $0x2  }
0x2a2: {  	_ =	swait.ge @!p0 [sflag:s0], s1  }
0x2a3: {  	s1 =	ssub.s32 @!p0 $0x0, s1;
	[sflag:s0] =	ssyncset.done @!p0 $0x0  }
0x2a4: {  	[sflag:s0] =	ssyncadd.s32 @!p0 s1  }
0x2a5: {  	[bflag:$0x3] =	sbarrier.arrive $0xFFFF  }
0x2a6: {  	_ =	shalt  }

</sc_bundles>
